<compile_context>
chip_gen: v7x
topology: tpu7x:2x2x1
jax: 0.10.2.dev20260603
libtpu: 0.0.44.dev20260713+nightly
codegen_flags: <defaults>
</compile_context>

<pallas_src>
import functools

import jax
import jax.numpy as jnp
from jax import lax
from jax.experimental import pallas as pl
from jax.experimental.pallas import tpu as pltpu
from jax.experimental.pallas import tpu_sc as plsc

_N = 100000
_E = 6400000
_DH = 64
_NG = 1024

_K = 1600
_NSC = 2
_NTILE = 16


def _tile_stripe(s, n):
  zr = -(-(n // _NTILE) // 8) * 8
  start = jnp.minimum(s * zr, n - zr)
  return pl.multiple_of(start, 8), zr


_SC_PARAMS = pltpu.CompilerParams(use_tc_tiling_on_sc=False)


def _agg_first_layer(table, src, dst, zeros):
  n = table.shape[0]
  e = src.shape[0]
  ept = e // (_NSC * _NTILE)
  nblk = ept // _K

  mesh = plsc.VectorSubcoreMesh(core_axis_name="c", subcore_axis_name="s")

  @functools.partial(
      pl.kernel, mesh=mesh,
      out_type=jax.ShapeDtypeStruct((n, 2 * 16), jnp.float32),
      scratch_types=[
          pltpu.VMEM((_K,), jnp.int32),
          pltpu.VMEM((_K,), jnp.int32),
          pltpu.VMEM((_K, 16), jnp.float32),
          pltpu.VMEM_SHARED((n, 16), jnp.float32),
          pltpu.SemaphoreType.DMA,
      ],
      compiler_params=_SC_PARAMS,
  )
  def kern(table_hbm, src_hbm, dst_hbm, zeros_hbm, out_hbm,
           sidx, didx, rows, acc, sem):
    c = lax.axis_index("c")
    s = lax.axis_index("s")
    r0, zr = _tile_stripe(s, n)
    pltpu.sync_copy(zeros_hbm.at[pl.ds(r0, zr)], acc.at[pl.ds(r0, zr)])
    plsc.subcore_barrier()
    tile_base = (c * _NTILE + s) * ept

    def blk(b, carry):
      e0 = pl.multiple_of(tile_base + b * _K, 8)
      pltpu.sync_copy(src_hbm.at[pl.ds(e0, _K)], sidx)
      pltpu.sync_copy(dst_hbm.at[pl.ds(e0, _K)], didx)
      pltpu.async_copy(table_hbm.at[sidx], rows, sem).wait()
      pltpu.sync_copy(rows, acc.at[didx], add=True)
      return carry

    lax.fori_loop(0, nblk, blk, 0)
    plsc.subcore_barrier()
    lane0 = pl.multiple_of(c * 16, 16)
    pltpu.sync_copy(acc.at[pl.ds(r0, zr)],
                    out_hbm.at[pl.ds(r0, zr), pl.ds(lane0, 16)])

  return kern(table, src, dst, zeros)


def _agg_grouped(table, src, dst, zeros):
  n = table.shape[0] // 4
  e = src.shape[0]
  ept = e // _NTILE
  nblk = ept // _K

  mesh = plsc.VectorSubcoreMesh(core_axis_name="c", subcore_axis_name="s")

  @functools.partial(
      pl.kernel, mesh=mesh,
      out_type=jax.ShapeDtypeStruct((n, 64), jnp.float32),
      scratch_types=[
          pltpu.VMEM((_K,), jnp.int32),
          pltpu.VMEM((_K,), jnp.int32),
          pltpu.VMEM((_K,), jnp.int32),
          pltpu.VMEM((_K, 16), jnp.float32),
          pltpu.VMEM_SHARED((n, 16), jnp.float32),
          pltpu.SemaphoreType.DMA,
      ],
      compiler_params=_SC_PARAMS,
  )
  def kern(table_hbm, src_hbm, dst_hbm, zeros_hbm, out_hbm,
           sidx, didx, gidx, rows, acc, sem):
    c = lax.axis_index("c")
    s = lax.axis_index("s")
    r0, zr = _tile_stripe(s, n)
    tile_base = s * ept

    for p in range(2):
      g = c * 2 + p
      pltpu.sync_copy(zeros_hbm.at[pl.ds(r0, zr)], acc.at[pl.ds(r0, zr)])
      plsc.subcore_barrier()

      def blk(b, carry):
        e0 = pl.multiple_of(tile_base + b * _K, 8)
        pltpu.sync_copy(src_hbm.at[pl.ds(e0, _K)], sidx)
        pltpu.sync_copy(dst_hbm.at[pl.ds(e0, _K)], didx)

        def jl(j, carry2):
          sv = sidx[pl.ds(j * 16, 16)]
          gidx[pl.ds(j * 16, 16)] = sv * 4 + g
          return carry2

        lax.fori_loop(0, _K // 16, jl, 0)
        pltpu.async_copy(table_hbm.at[gidx], rows, sem).wait()
        pltpu.sync_copy(rows, acc.at[didx], add=True)
        return carry

      lax.fori_loop(0, nblk, blk, 0)
      plsc.subcore_barrier()
      lane0 = pl.multiple_of(g * 16, 16)
      pltpu.sync_copy(acc.at[pl.ds(r0, zr)],
                      out_hbm.at[pl.ds(r0, zr), pl.ds(lane0, 16)])
      plsc.subcore_barrier()

  return kern(table, src, dst, zeros)


def _mlp_a_dense(agg, h, wa, wh, b, bn=4000):
  n = h.shape[0]
  ka = agg.shape[1]
  kh = h.shape[1]
  grid = n // bn

  def kern(agg_ref, h_ref, wa_ref, wh_ref, b_ref, z_ref, st_ref, acc_ref):
    i = pl.program_id(0)
    z = jnp.dot(agg_ref[...], wa_ref[...], preferred_element_type=jnp.float32, precision=lax.Precision.HIGHEST)
    z += jnp.dot(h_ref[...], wh_ref[...], preferred_element_type=jnp.float32, precision=lax.Precision.HIGHEST)
    z += b_ref[...]
    z_ref[...] = z

    @pl.when(i == 0)
    def _():
      acc_ref[...] = jnp.zeros_like(acc_ref)

    acc_ref[0:1, :] += jnp.sum(z, axis=0, keepdims=True)
    acc_ref[1:2, :] += jnp.sum(z * z, axis=0, keepdims=True)

    @pl.when(i == grid - 1)
    def _():
      st_ref[...] = acc_ref[...]

  return pl.pallas_call(
      kern,
      grid=(grid,),
      in_specs=[
          pl.BlockSpec((bn, ka), lambda i: (i, 0)),
          pl.BlockSpec((bn, kh), lambda i: (i, 0)),
          pl.BlockSpec((ka, 64), lambda i: (0, 0)),
          pl.BlockSpec((kh, 64), lambda i: (0, 0)),
          pl.BlockSpec((1, 64), lambda i: (0, 0)),
      ],
      out_specs=[
          pl.BlockSpec((bn, 64), lambda i: (i, 0)),
          pl.BlockSpec((8, 64), lambda i: (0, 0)),
      ],
      out_shape=[
          jax.ShapeDtypeStruct((n, 64), jnp.float32),
          jax.ShapeDtypeStruct((8, 64), jnp.float32),
      ],
      scratch_shapes=[pltpu.VMEM((8, 64), jnp.float32)],
      compiler_params=pltpu.CompilerParams(
          dimension_semantics=("arbitrary",)),
  )(agg, h, wa, wh, b)


def _mlp_b(z, stats, gamma, beta, w2, b2, bn=4000):
  n = z.shape[0]
  grid = n // bn
  inv_n = 1.0 / n

  def kern(z_ref, st_ref, g_ref, be_ref, w2_ref, b2_ref, h_ref):
    m = st_ref[0:1, :] * inv_n
    v = st_ref[1:2, :] * inv_n - m * m
    scale = lax.rsqrt(v + 1e-5) * g_ref[...]
    zz = (z_ref[...] - m) * scale + be_ref[...]
    zz = jnp.maximum(zz, 0.0)
    hh = jnp.dot(zz, w2_ref[...], preferred_element_type=jnp.float32, precision=lax.Precision.HIGHEST)
    h_ref[...] = jnp.maximum(hh + b2_ref[...], 0.0)

  return pl.pallas_call(
      kern,
      grid=(grid,),
      in_specs=[
          pl.BlockSpec((bn, 64), lambda i: (i, 0)),
          pl.BlockSpec((8, 64), lambda i: (0, 0)),
          pl.BlockSpec((1, 64), lambda i: (0, 0)),
          pl.BlockSpec((1, 64), lambda i: (0, 0)),
          pl.BlockSpec((64, 64), lambda i: (0, 0)),
          pl.BlockSpec((1, 64), lambda i: (0, 0)),
      ],
      out_specs=pl.BlockSpec((bn, 64), lambda i: (i, 0)),
      out_shape=jax.ShapeDtypeStruct((n, 64), jnp.float32),
  )(z, stats, gamma, beta, w2, b2)


def _mlp_b_pool_head(z, stats, gamma, beta, w2, b2, batch3, l1w, l1b, l2w,
                     l2b, bn=2000):
  n = z.shape[0]
  grid = n // bn
  inv_n = 1.0 / n

  def kern(z_ref, st_ref, g_ref, be_ref, w2_ref, b2_ref, batch_ref,
           l1w_ref, l1b_ref, l2w_ref, l2b_ref, out_ref, pool_ref):
    i = pl.program_id(0)
    m = st_ref[0:1, :] * inv_n
    v = st_ref[1:2, :] * inv_n - m * m
    scale = lax.rsqrt(v + 1e-5) * g_ref[...]
    zz = (z_ref[...] - m) * scale + be_ref[...]
    zz = jnp.maximum(zz, 0.0)
    hh = jnp.dot(zz, w2_ref[...], preferred_element_type=jnp.float32, precision=lax.Precision.HIGHEST)
    hh = jnp.maximum(hh + b2_ref[...], 0.0)

    seg = batch_ref[0, 0]
    onehot = (seg[:, None] ==
              lax.broadcasted_iota(jnp.int32, (bn, _NG), 1)).astype(
                  jnp.float32)
    contrib = lax.dot_general(onehot, hh, (((0,), (0,)), ((), ())),
                              preferred_element_type=jnp.float32,
                              precision=lax.Precision.HIGHEST)

    @pl.when(i == 0)
    def _():
      pool_ref[...] = jnp.zeros_like(pool_ref)

    pool_ref[...] += contrib

    @pl.when(i == grid - 1)
    def _():
      p = pool_ref[...]
      q = jnp.dot(p, l1w_ref[...], preferred_element_type=jnp.float32, precision=lax.Precision.HIGHEST)
      q = jnp.maximum(q + l1b_ref[...], 0.0)
      out_ref[...] = jnp.dot(q, l2w_ref[...],
                             preferred_element_type=jnp.float32, precision=lax.Precision.HIGHEST) + l2b_ref[...]

  return pl.pallas_call(
      kern,
      grid=(grid,),
      in_specs=[
          pl.BlockSpec((bn, 64), lambda i: (i, 0)),
          pl.BlockSpec((8, 64), lambda i: (0, 0)),
          pl.BlockSpec((1, 64), lambda i: (0, 0)),
          pl.BlockSpec((1, 64), lambda i: (0, 0)),
          pl.BlockSpec((64, 64), lambda i: (0, 0)),
          pl.BlockSpec((1, 64), lambda i: (0, 0)),
          pl.BlockSpec((1, 1, bn), lambda i: (i, 0, 0)),
          pl.BlockSpec((64, 64), lambda i: (0, 0)),
          pl.BlockSpec((1, 64), lambda i: (0, 0)),
          pl.BlockSpec((64, 1), lambda i: (0, 0)),
          pl.BlockSpec((1, 1), lambda i: (0, 0)),
      ],
      out_specs=pl.BlockSpec((_NG, 1), lambda i: (0, 0)),
      out_shape=jax.ShapeDtypeStruct((_NG, 1), jnp.float32),
      scratch_shapes=[pltpu.VMEM((_NG, 64), jnp.float32)],
      compiler_params=pltpu.CompilerParams(
          dimension_semantics=("arbitrary",)),
  )(z, stats, gamma, beta, w2, b2, batch3, l1w, l1b, l2w, l2b)


def kernel(x, edge_index, batch,
           c1_W1, c1_b1, c1_g, c1_be, c1_W2, c1_b2,
           c2_W1, c2_b1, c2_g, c2_be, c2_W2, c2_b2,
           c3_W1, c3_b1, c3_g, c3_be, c3_W2, c3_b2,
           lin1_W, lin1_b, lin2_W, lin2_b):
  n = x.shape[0]
  src, dst = edge_index[0], edge_index[1]
  zeros = jnp.zeros((n, 16), jnp.float32)

  x16 = jnp.pad(x, ((0, 0), (0, 16 - x.shape[1])))
  w1p = jnp.pad(c1_W1, ((0, 16 - c1_W1.shape[0]), (0, 0)))
  agg1 = _agg_first_layer(x16, src, dst, zeros)
  z1, st1 = _mlp_a_dense(agg1, x16,
                         jnp.concatenate([w1p, w1p], axis=0), w1p,
                         c1_b1.reshape(1, 64))
  h1 = _mlp_b(z1, st1, c1_g.reshape(1, 64), c1_be.reshape(1, 64), c1_W2,
              c1_b2.reshape(1, 64))

  agg2 = _agg_grouped(h1.reshape(n * 4, 16), src, dst, zeros)
  z2, st2 = _mlp_a_dense(agg2, h1, c2_W1, c2_W1, c2_b1.reshape(1, 64))
  h2 = _mlp_b(z2, st2, c2_g.reshape(1, 64), c2_be.reshape(1, 64), c2_W2,
              c2_b2.reshape(1, 64))

  agg3 = _agg_grouped(h2.reshape(n * 4, 16), src, dst, zeros)
  z3, st3 = _mlp_a_dense(agg3, h2, c3_W1, c3_W1, c3_b1.reshape(1, 64))
  bn_pool = 2000
  batch3 = batch.reshape(n // bn_pool, 1, bn_pool)
  out = _mlp_b_pool_head(z3, st3, c3_g.reshape(1, 64), c3_be.reshape(1, 64),
                         c3_W2, c3_b2.reshape(1, 64), batch3,
                         lin1_W, lin1_b.reshape(1, 64), lin2_W,
                         lin2_b.reshape(1, 1), bn=bn_pool)
  return out

# --- scband reference (transcript-rebuilt; emitter-appended) ---
"""Pipeline reference for scband-gin-57260503991115 (READ-ONLY COPY).

The authoritative reference and input builder live on the scoring server;
editing this copy changes nothing except your own understanding.
"""

import jax, jax.numpy as jnp
import numpy as np

N = 100000
E = 6400000
DIM_H = 64
NUM_GRAPHS = 1024


def _mlp(h, W1, b1, g, be, W2, b2):
    h = h @ W1 + b1
    m = jnp.mean(h, axis=0)
    v = jnp.var(h, axis=0)
    h = (h - m) / jnp.sqrt(v + 1e-5) * g + be
    h = jax.nn.relu(h)
    h = h @ W2 + b2
    return jax.nn.relu(h)


def _gin(x, src, dst, W1, b1, g, be, W2, b2):
    agg = jnp.zeros_like(x).at[dst].add(x[src])
    return _mlp(agg + x, W1, b1, g, be, W2, b2)


def setup_inputs(seed: int = 0):
    key = jax.random.key(seed)
    ks = jax.random.split(key, 16)
    inp = {}
    inp["x"] = jax.random.normal(ks[0], (N, 11), jnp.float32)
    inp["edge_index"] = jax.random.randint(ks[1], (2, E), 0, N, dtype=jnp.int32)
    inp["batch"] = jnp.sort(jax.random.randint(ks[2], (N,), 0, NUM_GRAPHS, dtype=jnp.int32))
    dims = [(11, DIM_H), (DIM_H, DIM_H), (DIM_H, DIM_H)]
    i = 3
    for li, (din, dout) in enumerate(dims, start=1):
        inp[f"c{li}_W1"] = jax.random.normal(ks[i], (din, dout), jnp.float32) * (1.0 / np.sqrt(din)); i += 1
        inp[f"c{li}_b1"] = jnp.zeros((dout,), jnp.float32)
        inp[f"c{li}_g"] = jnp.ones((dout,), jnp.float32)
        inp[f"c{li}_be"] = jnp.zeros((dout,), jnp.float32)
        inp[f"c{li}_W2"] = jax.random.normal(ks[i], (dout, dout), jnp.float32) * (1.0 / np.sqrt(dout)); i += 1
        inp[f"c{li}_b2"] = jnp.zeros((dout,), jnp.float32)
    inp["lin1_W"] = jax.random.normal(ks[i], (DIM_H, DIM_H), jnp.float32) * (1.0 / np.sqrt(DIM_H)); i += 1
    inp["lin1_b"] = jnp.zeros((DIM_H,), jnp.float32)
    inp["lin2_W"] = jax.random.normal(ks[i], (DIM_H, 1), jnp.float32) * (1.0 / np.sqrt(DIM_H)); i += 1
    inp["lin2_b"] = jnp.zeros((1,), jnp.float32)
    return inp


def reference(x, edge_index, batch,
              c1_W1, c1_b1, c1_g, c1_be, c1_W2, c1_b2,
              c2_W1, c2_b1, c2_g, c2_be, c2_W2, c2_b2,
              c3_W1, c3_b1, c3_g, c3_be, c3_W2, c3_b2,
              lin1_W, lin1_b, lin2_W, lin2_b):
    src, dst = edge_index[0], edge_index[1]
    h = _gin(x, src, dst, c1_W1, c1_b1, c1_g, c1_be, c1_W2, c1_b2)
    h = jax.nn.relu(h)
    h = _gin(h, src, dst, c2_W1, c2_b1, c2_g, c2_be, c2_W2, c2_b2)
    h = jax.nn.relu(h)
    h = _gin(h, src, dst, c3_W1, c3_b1, c3_g, c3_be, c3_W2, c3_b2)
    h = jax.ops.segment_sum(h, batch, num_segments=NUM_GRAPHS)
    h = jax.nn.relu(h @ lin1_W + lin1_b)
    h = h @ lin2_W + lin2_b
    return h

if __name__ == "__main__":
    import jax
    _d = setup_inputs()
    print(jax.jit(kernel)(*tuple(_d.values())))

</pallas_src>

<mosaic_0001>
#map = affine_map<(d0, d1) -> (0, 0)>
#map1 = affine_map<(d0, d1) -> (0)>
module attributes {stable_mosaic.version = 14 : i64} {
  func.func @kern(%arg0: i32, %arg1: i32, %arg2: memref<400000x16xf32, #tpu.memory_space<hbm>>, %arg3: memref<6400000xi32, #tpu.memory_space<hbm>>, %arg4: memref<6400000xi32, #tpu.memory_space<hbm>>, %arg5: memref<100000x16xf32, #tpu.memory_space<hbm>>, %arg6: memref<100000x64xf32, #tpu.memory_space<hbm>>, %arg7: memref<1600xi32, #tpu.memory_space<vmem>>, %arg8: memref<1600xi32, #tpu.memory_space<vmem>>, %arg9: memref<1600xi32, #tpu.memory_space<vmem>>, %arg10: memref<1600x16xf32, #tpu.memory_space<vmem>>, %arg11: memref<100000x16xf32, #tpu.memory_space<vmem_shared>>, %arg12: memref<!tpu.dma_semaphore, #tpu.memory_space<semaphore_mem>>) attributes {dimension_semantics = [#tpu.dimension_semantics<core_parallel>, #tpu.dimension_semantics<subcore_parallel>], iteration_bounds = array<i64: 2, 16>, scalar_prefetch = 0 : i64, scratch_operands = 6 : i64, tpu.core_type = #tpu.core_type<sc_vector_subcore>, window_params = [{transform_indices = #map}, {transform_indices = #map1}, {transform_indices = #map1}, {transform_indices = #map}, {transform_indices = #map}]} {
    %mul3A = arith.constant 6256 : i32
    %mul3A_0 = arith.muli %arg1, %mul3A : i32
    %min3A = arith.constant 93744 : i32
    %min3A_1 = arith.minsi %mul3A_0, %min3A : i32
    %multiple_of3A = tpu.assume_multiple %min3A_1, 8 : i32
    %mul3A_2 = arith.constant 400000 : i32
    %mul3A_3 = arith.muli %arg1, %mul3A_2 : i32
    %mul3A_4 = arith.constant 2 : i32
    %mul3A_5 = arith.muli %arg0, %mul3A_4 : i32
    %add3A = arith.constant 0 : i32
    %add3A_6 = arith.addi %mul3A_5, %add3A : i32
    "tpu.region"() ({
      %run_scoped3A = tpu.sem_alloc : memref<!tpu.dma_semaphore, #tpu.memory_space<semaphore_mem>>
      %dma_start3A = arith.constant 0 : i32
      %dma_start3A_33 = tpu.memref_slice %arg11[%multiple_of3A, %dma_start3A] : memref<100000x16xf32, #tpu.memory_space<vmem_shared>> -> memref<6256x16xf32, #tpu.memory_space<vmem_shared>>
      %dma_start3A_34 = arith.constant 0 : i32
      %dma_start3A_35 = tpu.memref_slice %arg5[%multiple_of3A, %dma_start3A_34] : memref<100000x16xf32, #tpu.memory_space<hbm>> -> memref<6256x16xf32, #tpu.memory_space<hbm>>
      tpu.enqueue_dma source(%dma_start3A_35 : memref<6256x16xf32, #tpu.memory_space<hbm>>) target(%dma_start3A_33 : memref<6256x16xf32, #tpu.memory_space<vmem_shared>>) target_semaphore(%run_scoped3A : memref<!tpu.dma_semaphore, #tpu.memory_space<semaphore_mem>>)
      %dma_wait3A = arith.constant 0 : i32
      %dma_wait3A_36 = tpu.memref_slice %arg11[%multiple_of3A, %dma_wait3A] : memref<100000x16xf32, #tpu.memory_space<vmem_shared>> -> memref<6256x16xf32, #tpu.memory_space<vmem_shared>>
      %dma_wait3A_37 = arith.constant 0 : i32
      %dma_wait3A_38 = tpu.memref_slice %arg5[%multiple_of3A, %dma_wait3A_37] : memref<100000x16xf32, #tpu.memory_space<hbm>> -> memref<6256x16xf32, #tpu.memory_space<hbm>>
      tpu.wait_dma2 semaphore(%run_scoped3A : memref<!tpu.dma_semaphore, #tpu.memory_space<semaphore_mem>>) src(%dma_wait3A_38 : memref<6256x16xf32, #tpu.memory_space<hbm>>) dst(%dma_wait3A_36 : memref<6256x16xf32, #tpu.memory_space<vmem_shared>>)
      tpu.yield
    }) : () -> ()
    %barrier3A = arith.constant 0 : index
    tpu.barrier barrier_id(%barrier3A)
    %scan3A = arith.constant 0 : i32
    %scan3A_7 = arith.constant 0 : i32
    %scan3A_8 = arith.constant 250 : i32
    %scan3A_9 = arith.addi %scan3A_7, %scan3A_8 : i32
    %scan3A_10 = arith.constant 1 : i32
    scf.for %scan3A_33 = %scan3A_7 to %scan3A_9 step %scan3A_10  : i32 {
      %mul3A_34 = arith.constant 1600 : i32
      %mul3A_35 = arith.muli %scan3A_33, %mul3A_34 : i32
      %add3A_36 = arith.addi %mul3A_3, %mul3A_35 : i32
      %multiple_of3A_37 = tpu.assume_multiple %add3A_36, 8 : i32
      "tpu.region"() ({
        %run_scoped3A = tpu.sem_alloc : memref<!tpu.dma_semaphore, #tpu.memory_space<semaphore_mem>>
        %dma_start3A_48 = tpu.memref_slice %arg3[%multiple_of3A_37] : memref<6400000xi32, #tpu.memory_space<hbm>> -> memref<1600xi32, #tpu.memory_space<hbm>>
        %dma_start3A_49 = tpu.memref_slice %arg3[%multiple_of3A_37] : memref<6400000xi32, #tpu.memory_space<hbm>> -> memref<1600xi32, #tpu.memory_space<hbm>>
        tpu.enqueue_dma source(%dma_start3A_49 : memref<1600xi32, #tpu.memory_space<hbm>>) target(%arg7 : memref<1600xi32, #tpu.memory_space<vmem>>) target_semaphore(%run_scoped3A : memref<!tpu.dma_semaphore, #tpu.memory_space<semaphore_mem>>)
        %dma_wait3A_50 = tpu.memref_slice %arg3[%multiple_of3A_37] : memref<6400000xi32, #tpu.memory_space<hbm>> -> memref<1600xi32, #tpu.memory_space<hbm>>
        %dma_wait3A_51 = tpu.memref_slice %arg3[%multiple_of3A_37] : memref<6400000xi32, #tpu.memory_space<hbm>> -> memref<1600xi32, #tpu.memory_space<hbm>>
        tpu.wait_dma2 semaphore(%run_scoped3A : memref<!tpu.dma_semaphore, #tpu.memory_space<semaphore_mem>>) src(%dma_wait3A_51 : memref<1600xi32, #tpu.memory_space<hbm>>) dst(%arg7 : memref<1600xi32, #tpu.memory_space<vmem>>)
        tpu.yield
      }) : () -> ()
      "tpu.region"() ({
        %run_scoped3A = tpu.sem_alloc : memref<!tpu.dma_semaphore, #tpu.memory_space<semaphore_mem>>
        %dma_start3A_48 = tpu.memref_slice %arg4[%multiple_of3A_37] : memref<6400000xi32, #tpu.memory_space<hbm>> -> memref<1600xi32, #tpu.memory_space<hbm>>
        %dma_start3A_49 = tpu.memref_slice %arg4[%multiple_of3A_37] : memref<6400000xi32, #tpu.memory_space<hbm>> -> memref<1600xi32, #tpu.memory_space<hbm>>
        tpu.enqueue_dma source(%dma_start3A_49 : memref<1600xi32, #tpu.memory_space<hbm>>) target(%arg8 : memref<1600xi32, #tpu.memory_space<vmem>>) target_semaphore(%run_scoped3A : memref<!tpu.dma_semaphore, #tpu.memory_space<semaphore_mem>>)
        %dma_wait3A_50 = tpu.memref_slice %arg4[%multiple_of3A_37] : memref<6400000xi32, #tpu.memory_space<hbm>> -> memref<1600xi32, #tpu.memory_space<hbm>>
        %dma_wait3A_51 = tpu.memref_slice %arg4[%multiple_of3A_37] : memref<6400000xi32, #tpu.memory_space<hbm>> -> memref<1600xi32, #tpu.memory_space<hbm>>
        tpu.wait_dma2 semaphore(%run_scoped3A : memref<!tpu.dma_semaphore, #tpu.memory_space<semaphore_mem>>) src(%dma_wait3A_51 : memref<1600xi32, #tpu.memory_space<hbm>>) dst(%arg8 : memref<1600xi32, #tpu.memory_space<vmem>>)
        tpu.yield
      }) : () -> ()
      %scan3A_38 = arith.constant 0 : i32
      %scan3A_39 = arith.constant 0 : i32
      %scan3A_40 = arith.constant 100 : i32
      %scan3A_41 = arith.addi %scan3A_39, %scan3A_40 : i32
      %scan3A_42 = arith.constant 1 : i32
      scf.for %scan3A_48 = %scan3A_39 to %scan3A_41 step %scan3A_42  : i32 {
        %mul3A_49 = arith.constant 16 : i32
        %mul3A_50 = arith.muli %scan3A_48, %mul3A_49 : i32
        %get3A = arith.index_cast %mul3A_50 : i32 to index
        %get3A_51 = tpu.vector_load %arg7[%get3A] {strides = array<i32>} : memref<1600xi32, #tpu.memory_space<vmem>>, vector<16xi32>,
        %get3A_52 = vector.shape_cast %get3A_51 : vector<16xi32> to vector<16xi32>
        %mul3A_53 = arith.constant 4 : i32
        %mul3A_54 = vector.broadcast %mul3A_53 : i32 to vector<16xi32>
        %mul3A_55 = arith.muli %get3A_52, %mul3A_54 : vector<16xi32>
        %add3A_56 = vector.broadcast %add3A_6 : i32 to vector<16xi32>
        %add3A_57 = arith.addi %mul3A_55, %add3A_56 : vector<16xi32>
        %mul3A_58 = arith.constant 16 : i32
        %mul3A_59 = arith.muli %scan3A_48, %mul3A_58 : i32
        %swap3A = arith.index_cast %mul3A_59 : i32 to index
        %swap3A_60 = tpu.vector_load %arg9[%swap3A] {strides = array<i32>} : memref<1600xi32, #tpu.memory_space<vmem>>, vector<16xi32>,
        %swap3A_61 = vector.shape_cast %swap3A_60 : vector<16xi32> to vector<16xi32>
        %swap3A_62 = vector.shape_cast %add3A_57 : vector<16xi32> to vector<16xi32>
        tpu.vector_store %arg9[%swap3A], %swap3A_62 {strides = array<i32>} : memref<1600xi32, #tpu.memory_space<vmem>>, vector<16xi32>,
      }
      %scan3A_43 = arith.constant 100 : i32
      %dma_start3A = arith.constant 0 : i32
      %dma_start3A_44 = arith.constant 0 : i32
      %dma_start3A_45 = tpu.memref_slice %arg2[%dma_start3A, %dma_start3A_44] : memref<400000x16xf32, #tpu.memory_space<hbm>> -> memref<400000x16xf32, #tpu.memory_space<hbm>>
      tpu.enqueue_indirect_dma source(%dma_start3A_45 : memref<400000x16xf32, #tpu.memory_space<hbm>>) target(%arg10 : memref<1600x16xf32, #tpu.memory_space<vmem>>) offsets(%arg9 : memref<1600xi32, #tpu.memory_space<vmem>>) semaphore(%arg12 : memref<!tpu.dma_semaphore, #tpu.memory_space<semaphore_mem>>)
      %dma_wait3A = arith.constant 0 : i32
      %dma_wait3A_46 = arith.constant 0 : i32
      %dma_wait3A_47 = tpu.memref_slice %arg2[%dma_wait3A, %dma_wait3A_46] : memref<400000x16xf32, #tpu.memory_space<hbm>> -> memref<400000x16xf32, #tpu.memory_space<hbm>>
      tpu.wait_indirect_dma semaphore(%arg12 : memref<!tpu.dma_semaphore, #tpu.memory_space<semaphore_mem>>) src(%dma_wait3A_47 : memref<400000x16xf32, #tpu.memory_space<hbm>>) dst(%arg10 : memref<1600x16xf32, #tpu.memory_space<vmem>>)
      "tpu.region"() ({
        %run_scoped3A = tpu.sem_alloc : memref<!tpu.dma_semaphore, #tpu.memory_space<semaphore_mem>>
        %dma_start3A_48 = arith.constant 0 : i32
        %dma_start3A_49 = arith.constant 0 : i32
        %dma_start3A_50 = tpu.memref_slice %arg11[%dma_start3A_48, %dma_start3A_49] : memref<100000x16xf32, #tpu.memory_space<vmem_shared>> -> memref<100000x16xf32, #tpu.memory_space<vmem_shared>>
        tpu.enqueue_indirect_dma source(%arg10 : memref<1600x16xf32, #tpu.memory_space<vmem>>) target(%dma_start3A_50 : memref<100000x16xf32, #tpu.memory_space<vmem_shared>>) offsets(%arg8 : memref<1600xi32, #tpu.memory_space<vmem>>) semaphore(%run_scoped3A : memref<!tpu.dma_semaphore, #tpu.memory_space<semaphore_mem>>) {add = true}
        %dma_wait3A_51 = arith.constant 0 : i32
        %dma_wait3A_52 = arith.constant 0 : i32
        %dma_wait3A_53 = tpu.memref_slice %arg11[%dma_wait3A_51, %dma_wait3A_52] : memref<100000x16xf32, #tpu.memory_space<vmem_shared>> -> memref<100000x16xf32, #tpu.memory_space<vmem_shared>>
        tpu.wait_indirect_dma semaphore(%run_scoped3A : memref<!tpu.dma_semaphore, #tpu.memory_space<semaphore_mem>>) src(%arg10 : memref<1600x16xf32, #tpu.memory_space<vmem>>) dst(%dma_wait3A_53 : memref<100000x16xf32, #tpu.memory_space<vmem_shared>>)
        tpu.yield
      }) : () -> ()
    }
    %scan3A_11 = arith.constant 250 : i32
    %barrier3A_12 = arith.constant 0 : index
    tpu.barrier barrier_id(%barrier3A_12)
    %mul3A_13 = arith.constant 16 : i32
    %mul3A_14 = arith.muli %add3A_6, %mul3A_13 : i32
    %multiple_of3A_15 = tpu.assume_multiple %mul3A_14, 16 : i32
    "tpu.region"() ({
      %run_scoped3A = tpu.sem_alloc : memref<!tpu.dma_semaphore, #tpu.memory_space<semaphore_mem>>
      %dma_start3A = tpu.memref_slice %arg6[%multiple_of3A, %multiple_of3A_15] : memref<100000x64xf32, #tpu.memory_space<hbm>> -> memref<6256x16xf32, #tpu.memory_space<hbm>>
      %dma_start3A_33 = arith.constant 0 : i32
      %dma_start3A_34 = tpu.memref_slice %arg11[%multiple_of3A, %dma_start3A_33] : memref<100000x16xf32, #tpu.memory_space<vmem_shared>> -> memref<6256x16xf32, #tpu.memory_space<vmem_shared>>
      tpu.enqueue_dma source(%dma_start3A_34 : memref<6256x16xf32, #tpu.memory_space<vmem_shared>>) target(%dma_start3A : memref<6256x16xf32, #tpu.memory_space<hbm>>) target_semaphore(%run_scoped3A : memref<!tpu.dma_semaphore, #tpu.memory_space<semaphore_mem>>)
      %dma_wait3A = tpu.memref_slice %arg6[%multiple_of3A, %multiple_of3A_15] : memref<100000x64xf32, #tpu.memory_space<hbm>> -> memref<6256x16xf32, #tpu.memory_space<hbm>>
      %dma_wait3A_35 = arith.constant 0 : i32
      %dma_wait3A_36 = tpu.memref_slice %arg11[%multiple_of3A, %dma_wait3A_35] : memref<100000x16xf32, #tpu.memory_space<vmem_shared>> -> memref<6256x16xf32, #tpu.memory_space<vmem_shared>>
      tpu.wait_dma2 semaphore(%run_scoped3A : memref<!tpu.dma_semaphore, #tpu.memory_space<semaphore_mem>>) src(%dma_wait3A_36 : memref<6256x16xf32, #tpu.memory_space<vmem_shared>>) dst(%dma_wait3A : memref<6256x16xf32, #tpu.memory_space<hbm>>)
      tpu.yield
    }) : () -> ()
    %barrier3A_16 = arith.constant 0 : index
    tpu.barrier barrier_id(%barrier3A_16)
    %mul3A_17 = arith.constant 2 : i32
    %mul3A_18 = arith.muli %arg0, %mul3A_17 : i32
    %add3A_19 = arith.constant 1 : i32
    %add3A_20 = arith.addi %mul3A_18, %add3A_19 : i32
    "tpu.region"() ({
      %run_scoped3A = tpu.sem_alloc : memref<!tpu.dma_semaphore, #tpu.memory_space<semaphore_mem>>
      %dma_start3A = arith.constant 0 : i32
      %dma_start3A_33 = tpu.memref_slice %arg11[%multiple_of3A, %dma_start3A] : memref<100000x16xf32, #tpu.memory_space<vmem_shared>> -> memref<6256x16xf32, #tpu.memory_space<vmem_shared>>
      %dma_start3A_34 = arith.constant 0 : i32
      %dma_start3A_35 = tpu.memref_slice %arg5[%multiple_of3A, %dma_start3A_34] : memref<100000x16xf32, #tpu.memory_space<hbm>> -> memref<6256x16xf32, #tpu.memory_space<hbm>>
      tpu.enqueue_dma source(%dma_start3A_35 : memref<6256x16xf32, #tpu.memory_space<hbm>>) target(%dma_start3A_33 : memref<6256x16xf32, #tpu.memory_space<vmem_shared>>) target_semaphore(%run_scoped3A : memref<!tpu.dma_semaphore, #tpu.memory_space<semaphore_mem>>)
      %dma_wait3A = arith.constant 0 : i32
      %dma_wait3A_36 = tpu.memref_slice %arg11[%multiple_of3A, %dma_wait3A] : memref<100000x16xf32, #tpu.memory_space<vmem_shared>> -> memref<6256x16xf32, #tpu.memory_space<vmem_shared>>
      %dma_wait3A_37 = arith.constant 0 : i32
      %dma_wait3A_38 = tpu.memref_slice %arg5[%multiple_of3A, %dma_wait3A_37] : memref<100000x16xf32, #tpu.memory_space<hbm>> -> memref<6256x16xf32, #tpu.memory_space<hbm>>
      tpu.wait_dma2 semaphore(%run_scoped3A : memref<!tpu.dma_semaphore, #tpu.memory_space<semaphore_mem>>) src(%dma_wait3A_38 : memref<6256x16xf32, #tpu.memory_space<hbm>>) dst(%dma_wait3A_36 : memref<6256x16xf32, #tpu.memory_space<vmem_shared>>)
      tpu.yield
    }) : () -> ()
    %barrier3A_21 = arith.constant 0 : index
    tpu.barrier barrier_id(%barrier3A_21)
    %scan3A_22 = arith.constant 0 : i32
    %scan3A_23 = arith.constant 0 : i32
    %scan3A_24 = arith.constant 250 : i32
    %scan3A_25 = arith.addi %scan3A_23, %scan3A_24 : i32
    %scan3A_26 = arith.constant 1 : i32
    scf.for %scan3A_33 = %scan3A_23 to %scan3A_25 step %scan3A_26  : i32 {
      %mul3A_34 = arith.constant 1600 : i32
      %mul3A_35 = arith.muli %scan3A_33, %mul3A_34 : i32
      %add3A_36 = arith.addi %mul3A_3, %mul3A_35 : i32
      %multiple_of3A_37 = tpu.assume_multiple %add3A_36, 8 : i32
      "tpu.region"() ({
        %run_scoped3A = tpu.sem_alloc : memref<!tpu.dma_semaphore, #tpu.memory_space<semaphore_mem>>
        %dma_start3A_48 = tpu.memref_slice %arg3[%multiple_of3A_37] : memref<6400000xi32, #tpu.memory_space<hbm>> -> memref<1600xi32, #tpu.memory_space<hbm>>
        %dma_start3A_49 = tpu.memref_slice %arg3[%multiple_of3A_37] : memref<6400000xi32, #tpu.memory_space<hbm>> -> memref<1600xi32, #tpu.memory_space<hbm>>
        tpu.enqueue_dma source(%dma_start3A_49 : memref<1600xi32, #tpu.memory_space<hbm>>) target(%arg7 : memref<1600xi32, #tpu.memory_space<vmem>>) target_semaphore(%run_scoped3A : memref<!tpu.dma_semaphore, #tpu.memory_space<semaphore_mem>>)
        %dma_wait3A_50 = tpu.memref_slice %arg3[%multiple_of3A_37] : memref<6400000xi32, #tpu.memory_space<hbm>> -> memref<1600xi32, #tpu.memory_space<hbm>>
        %dma_wait3A_51 = tpu.memref_slice %arg3[%multiple_of3A_37] : memref<6400000xi32, #tpu.memory_space<hbm>> -> memref<1600xi32, #tpu.memory_space<hbm>>
        tpu.wait_dma2 semaphore(%run_scoped3A : memref<!tpu.dma_semaphore, #tpu.memory_space<semaphore_mem>>) src(%dma_wait3A_51 : memref<1600xi32, #tpu.memory_space<hbm>>) dst(%arg7 : memref<1600xi32, #tpu.memory_space<vmem>>)
        tpu.yield
      }) : () -> ()
      "tpu.region"() ({
        %run_scoped3A = tpu.sem_alloc : memref<!tpu.dma_semaphore, #tpu.memory_space<semaphore_mem>>
        %dma_start3A_48 = tpu.memref_slice %arg4[%multiple_of3A_37] : memref<6400000xi32, #tpu.memory_space<hbm>> -> memref<1600xi32, #tpu.memory_space<hbm>>
        %dma_start3A_49 = tpu.memref_slice %arg4[%multiple_of3A_37] : memref<6400000xi32, #tpu.memory_space<hbm>> -> memref<1600xi32, #tpu.memory_space<hbm>>
        tpu.enqueue_dma source(%dma_start3A_49 : memref<1600xi32, #tpu.memory_space<hbm>>) target(%arg8 : memref<1600xi32, #tpu.memory_space<vmem>>) target_semaphore(%run_scoped3A : memref<!tpu.dma_semaphore, #tpu.memory_space<semaphore_mem>>)
        %dma_wait3A_50 = tpu.memref_slice %arg4[%multiple_of3A_37] : memref<6400000xi32, #tpu.memory_space<hbm>> -> memref<1600xi32, #tpu.memory_space<hbm>>
        %dma_wait3A_51 = tpu.memref_slice %arg4[%multiple_of3A_37] : memref<6400000xi32, #tpu.memory_space<hbm>> -> memref<1600xi32, #tpu.memory_space<hbm>>
        tpu.wait_dma2 semaphore(%run_scoped3A : memref<!tpu.dma_semaphore, #tpu.memory_space<semaphore_mem>>) src(%dma_wait3A_51 : memref<1600xi32, #tpu.memory_space<hbm>>) dst(%arg8 : memref<1600xi32, #tpu.memory_space<vmem>>)
        tpu.yield
      }) : () -> ()
      %scan3A_38 = arith.constant 0 : i32
      %scan3A_39 = arith.constant 0 : i32
      %scan3A_40 = arith.constant 100 : i32
      %scan3A_41 = arith.addi %scan3A_39, %scan3A_40 : i32
      %scan3A_42 = arith.constant 1 : i32
      scf.for %scan3A_48 = %scan3A_39 to %scan3A_41 step %scan3A_42  : i32 {
        %mul3A_49 = arith.constant 16 : i32
        %mul3A_50 = arith.muli %scan3A_48, %mul3A_49 : i32
        %get3A = arith.index_cast %mul3A_50 : i32 to index
        %get3A_51 = tpu.vector_load %arg7[%get3A] {strides = array<i32>} : memref<1600xi32, #tpu.memory_space<vmem>>, vector<16xi32>,
        %get3A_52 = vector.shape_cast %get3A_51 : vector<16xi32> to vector<16xi32>
        %mul3A_53 = arith.constant 4 : i32
        %mul3A_54 = vector.broadcast %mul3A_53 : i32 to vector<16xi32>
        %mul3A_55 = arith.muli %get3A_52, %mul3A_54 : vector<16xi32>
        %add3A_56 = vector.broadcast %add3A_20 : i32 to vector<16xi32>
        %add3A_57 = arith.addi %mul3A_55, %add3A_56 : vector<16xi32>
        %mul3A_58 = arith.constant 16 : i32
        %mul3A_59 = arith.muli %scan3A_48, %mul3A_58 : i32
        %swap3A = arith.index_cast %mul3A_59 : i32 to index
        %swap3A_60 = tpu.vector_load %arg9[%swap3A] {strides = array<i32>} : memref<1600xi32, #tpu.memory_space<vmem>>, vector<16xi32>,
        %swap3A_61 = vector.shape_cast %swap3A_60 : vector<16xi32> to vector<16xi32>
        %swap3A_62 = vector.shape_cast %add3A_57 : vector<16xi32> to vector<16xi32>
        tpu.vector_store %arg9[%swap3A], %swap3A_62 {strides = array<i32>} : memref<1600xi32, #tpu.memory_space<vmem>>, vector<16xi32>,
      }
      %scan3A_43 = arith.constant 100 : i32
      %dma_start3A = arith.constant 0 : i32
      %dma_start3A_44 = arith.constant 0 : i32
      %dma_start3A_45 = tpu.memref_slice %arg2[%dma_start3A, %dma_start3A_44] : memref<400000x16xf32, #tpu.memory_space<hbm>> -> memref<400000x16xf32, #tpu.memory_space<hbm>>
      tpu.enqueue_indirect_dma source(%dma_start3A_45 : memref<400000x16xf32, #tpu.memory_space<hbm>>) target(%arg10 : memref<1600x16xf32, #tpu.memory_space<vmem>>) offsets(%arg9 : memref<1600xi32, #tpu.memory_space<vmem>>) semaphore(%arg12 : memref<!tpu.dma_semaphore, #tpu.memory_space<semaphore_mem>>)
      %dma_wait3A = arith.constant 0 : i32
      %dma_wait3A_46 = arith.constant 0 : i32
      %dma_wait3A_47 = tpu.memref_slice %arg2[%dma_wait3A, %dma_wait3A_46] : memref<400000x16xf32, #tpu.memory_space<hbm>> -> memref<400000x16xf32, #tpu.memory_space<hbm>>
      tpu.wait_indirect_dma semaphore(%arg12 : memref<!tpu.dma_semaphore, #tpu.memory_space<semaphore_mem>>) src(%dma_wait3A_47 : memref<400000x16xf32, #tpu.memory_space<hbm>>) dst(%arg10 : memref<1600x16xf32, #tpu.memory_space<vmem>>)
      "tpu.region"() ({
        %run_scoped3A = tpu.sem_alloc : memref<!tpu.dma_semaphore, #tpu.memory_space<semaphore_mem>>
        %dma_start3A_48 = arith.constant 0 : i32
        %dma_start3A_49 = arith.constant 0 : i32
        %dma_start3A_50 = tpu.memref_slice %arg11[%dma_start3A_48, %dma_start3A_49] : memref<100000x16xf32, #tpu.memory_space<vmem_shared>> -> memref<100000x16xf32, #tpu.memory_space<vmem_shared>>
        tpu.enqueue_indirect_dma source(%arg10 : memref<1600x16xf32, #tpu.memory_space<vmem>>) target(%dma_start3A_50 : memref<100000x16xf32, #tpu.memory_space<vmem_shared>>) offsets(%arg8 : memref<1600xi32, #tpu.memory_space<vmem>>) semaphore(%run_scoped3A : memref<!tpu.dma_semaphore, #tpu.memory_space<semaphore_mem>>) {add = true}
        %dma_wait3A_51 = arith.constant 0 : i32
        %dma_wait3A_52 = arith.constant 0 : i32
        %dma_wait3A_53 = tpu.memref_slice %arg11[%dma_wait3A_51, %dma_wait3A_52] : memref<100000x16xf32, #tpu.memory_space<vmem_shared>> -> memref<100000x16xf32, #tpu.memory_space<vmem_shared>>
        tpu.wait_indirect_dma semaphore(%run_scoped3A : memref<!tpu.dma_semaphore, #tpu.memory_space<semaphore_mem>>) src(%arg10 : memref<1600x16xf32, #tpu.memory_space<vmem>>) dst(%dma_wait3A_53 : memref<100000x16xf32, #tpu.memory_space<vmem_shared>>)
        tpu.yield
      }) : () -> ()
    }
    %scan3A_27 = arith.constant 250 : i32
    %barrier3A_28 = arith.constant 0 : index
    tpu.barrier barrier_id(%barrier3A_28)
    %mul3A_29 = arith.constant 16 : i32
    %mul3A_30 = arith.muli %add3A_20, %mul3A_29 : i32
    %multiple_of3A_31 = tpu.assume_multiple %mul3A_30, 16 : i32
    "tpu.region"() ({
      %run_scoped3A = tpu.sem_alloc : memref<!tpu.dma_semaphore, #tpu.memory_space<semaphore_mem>>
      %dma_start3A = tpu.memref_slice %arg6[%multiple_of3A, %multiple_of3A_31] : memref<100000x64xf32, #tpu.memory_space<hbm>> -> memref<6256x16xf32, #tpu.memory_space<hbm>>
      %dma_start3A_33 = arith.constant 0 : i32
      %dma_start3A_34 = tpu.memref_slice %arg11[%multiple_of3A, %dma_start3A_33] : memref<100000x16xf32, #tpu.memory_space<vmem_shared>> -> memref<6256x16xf32, #tpu.memory_space<vmem_shared>>
      tpu.enqueue_dma source(%dma_start3A_34 : memref<6256x16xf32, #tpu.memory_space<vmem_shared>>) target(%dma_start3A : memref<6256x16xf32, #tpu.memory_space<hbm>>) target_semaphore(%run_scoped3A : memref<!tpu.dma_semaphore, #tpu.memory_space<semaphore_mem>>)
      %dma_wait3A = tpu.memref_slice %arg6[%multiple_of3A, %multiple_of3A_31] : memref<100000x64xf32, #tpu.memory_space<hbm>> -> memref<6256x16xf32, #tpu.memory_space<hbm>>
      %dma_wait3A_35 = arith.constant 0 : i32
      %dma_wait3A_36 = tpu.memref_slice %arg11[%multiple_of3A, %dma_wait3A_35] : memref<100000x16xf32, #tpu.memory_space<vmem_shared>> -> memref<6256x16xf32, #tpu.memory_space<vmem_shared>>
      tpu.wait_dma2 semaphore(%run_scoped3A : memref<!tpu.dma_semaphore, #tpu.memory_space<semaphore_mem>>) src(%dma_wait3A_36 : memref<6256x16xf32, #tpu.memory_space<vmem_shared>>) dst(%dma_wait3A : memref<6256x16xf32, #tpu.memory_space<hbm>>)
      tpu.yield
    }) : () -> ()
    %barrier3A_32 = arith.constant 0 : index
    tpu.barrier barrier_id(%barrier3A_32)
    return
  }
}

#map = affine_map<(d0, d1) -> (0, 0)>
#map1 = affine_map<(d0, d1) -> (0)>
module attributes {stable_mosaic.version = 14 : i64} {
  func.func @kern(%arg0: i32, %arg1: i32, %arg2: memref<100000x16xf32, #tpu.memory_space<hbm>>, %arg3: memref<6400000xi32, #tpu.memory_space<hbm>>, %arg4: memref<6400000xi32, #tpu.memory_space<hbm>>, %arg5: memref<100000x16xf32, #tpu.memory_space<hbm>>, %arg6: memref<100000x32xf32, #tpu.memory_space<hbm>>, %arg7: memref<1600xi32, #tpu.memory_space<vmem>>, %arg8: memref<1600xi32, #tpu.memory_space<vmem>>, %arg9: memref<1600x16xf32, #tpu.memory_space<vmem>>, %arg10: memref<100000x16xf32, #tpu.memory_space<vmem_shared>>, %arg11: memref<!tpu.dma_semaphore, #tpu.memory_space<semaphore_mem>>) attributes {dimension_semantics = [#tpu.dimension_semantics<core_parallel>, #tpu.dimension_semantics<subcore_parallel>], iteration_bounds = array<i64: 2, 16>, scalar_prefetch = 0 : i64, scratch_operands = 5 : i64, tpu.core_type = #tpu.core_type<sc_vector_subcore>, window_params = [{transform_indices = #map}, {transform_indices = #map1}, {transform_indices = #map1}, {transform_indices = #map}, {transform_indices = #map}]} {
    %mul3A = arith.constant 6256 : i32
    %mul3A_0 = arith.muli %arg1, %mul3A : i32
    %min3A = arith.constant 93744 : i32
    %min3A_1 = arith.minsi %mul3A_0, %min3A : i32
    %multiple_of3A = tpu.assume_multiple %min3A_1, 8 : i32
    "tpu.region"() ({
      %run_scoped3A = tpu.sem_alloc : memref<!tpu.dma_semaphore, #tpu.memory_space<semaphore_mem>>
      %dma_start3A = arith.constant 0 : i32
      %dma_start3A_15 = tpu.memref_slice %arg10[%multiple_of3A, %dma_start3A] : memref<100000x16xf32, #tpu.memory_space<vmem_shared>> -> memref<6256x16xf32, #tpu.memory_space<vmem_shared>>
      %dma_start3A_16 = arith.constant 0 : i32
      %dma_start3A_17 = tpu.memref_slice %arg5[%multiple_of3A, %dma_start3A_16] : memref<100000x16xf32, #tpu.memory_space<hbm>> -> memref<6256x16xf32, #tpu.memory_space<hbm>>
      tpu.enqueue_dma source(%dma_start3A_17 : memref<6256x16xf32, #tpu.memory_space<hbm>>) target(%dma_start3A_15 : memref<6256x16xf32, #tpu.memory_space<vmem_shared>>) target_semaphore(%run_scoped3A : memref<!tpu.dma_semaphore, #tpu.memory_space<semaphore_mem>>)
      %dma_wait3A = arith.constant 0 : i32
      %dma_wait3A_18 = tpu.memref_slice %arg10[%multiple_of3A, %dma_wait3A] : memref<100000x16xf32, #tpu.memory_space<vmem_shared>> -> memref<6256x16xf32, #tpu.memory_space<vmem_shared>>
      %dma_wait3A_19 = arith.constant 0 : i32
      %dma_wait3A_20 = tpu.memref_slice %arg5[%multiple_of3A, %dma_wait3A_19] : memref<100000x16xf32, #tpu.memory_space<hbm>> -> memref<6256x16xf32, #tpu.memory_space<hbm>>
      tpu.wait_dma2 semaphore(%run_scoped3A : memref<!tpu.dma_semaphore, #tpu.memory_space<semaphore_mem>>) src(%dma_wait3A_20 : memref<6256x16xf32, #tpu.memory_space<hbm>>) dst(%dma_wait3A_18 : memref<6256x16xf32, #tpu.memory_space<vmem_shared>>)
      tpu.yield
    }) : () -> ()
    %barrier3A = arith.constant 0 : index
    tpu.barrier barrier_id(%barrier3A)
    %mul3A_2 = arith.constant 16 : i32
    %mul3A_3 = arith.muli %arg0, %mul3A_2 : i32
    %add3A = arith.addi %mul3A_3, %arg1 : i32
    %mul3A_4 = arith.constant 200000 : i32
    %mul3A_5 = arith.muli %add3A, %mul3A_4 : i32
    %scan3A = arith.constant 0 : i32
    %scan3A_6 = arith.constant 0 : i32
    %scan3A_7 = arith.constant 125 : i32
    %scan3A_8 = arith.addi %scan3A_6, %scan3A_7 : i32
    %scan3A_9 = arith.constant 1 : i32
    scf.for %scan3A_15 = %scan3A_6 to %scan3A_8 step %scan3A_9  : i32 {
      %mul3A_16 = arith.constant 1600 : i32
      %mul3A_17 = arith.muli %scan3A_15, %mul3A_16 : i32
      %add3A_18 = arith.addi %mul3A_5, %mul3A_17 : i32
      %multiple_of3A_19 = tpu.assume_multiple %add3A_18, 8 : i32
      "tpu.region"() ({
        %run_scoped3A = tpu.sem_alloc : memref<!tpu.dma_semaphore, #tpu.memory_space<semaphore_mem>>
        %dma_start3A_24 = tpu.memref_slice %arg3[%multiple_of3A_19] : memref<6400000xi32, #tpu.memory_space<hbm>> -> memref<1600xi32, #tpu.memory_space<hbm>>
        %dma_start3A_25 = tpu.memref_slice %arg3[%multiple_of3A_19] : memref<6400000xi32, #tpu.memory_space<hbm>> -> memref<1600xi32, #tpu.memory_space<hbm>>
        tpu.enqueue_dma source(%dma_start3A_25 : memref<1600xi32, #tpu.memory_space<hbm>>) target(%arg7 : memref<1600xi32, #tpu.memory_space<vmem>>) target_semaphore(%run_scoped3A : memref<!tpu.dma_semaphore, #tpu.memory_space<semaphore_mem>>)
        %dma_wait3A_26 = tpu.memref_slice %arg3[%multiple_of3A_19] : memref<6400000xi32, #tpu.memory_space<hbm>> -> memref<1600xi32, #tpu.memory_space<hbm>>
        %dma_wait3A_27 = tpu.memref_slice %arg3[%multiple_of3A_19] : memref<6400000xi32, #tpu.memory_space<hbm>> -> memref<1600xi32, #tpu.memory_space<hbm>>
        tpu.wait_dma2 semaphore(%run_scoped3A : memref<!tpu.dma_semaphore, #tpu.memory_space<semaphore_mem>>) src(%dma_wait3A_27 : memref<1600xi32, #tpu.memory_space<hbm>>) dst(%arg7 : memref<1600xi32, #tpu.memory_space<vmem>>)
        tpu.yield
      }) : () -> ()
      "tpu.region"() ({
        %run_scoped3A = tpu.sem_alloc : memref<!tpu.dma_semaphore, #tpu.memory_space<semaphore_mem>>
        %dma_start3A_24 = tpu.memref_slice %arg4[%multiple_of3A_19] : memref<6400000xi32, #tpu.memory_space<hbm>> -> memref<1600xi32, #tpu.memory_space<hbm>>
        %dma_start3A_25 = tpu.memref_slice %arg4[%multiple_of3A_19] : memref<6400000xi32, #tpu.memory_space<hbm>> -> memref<1600xi32, #tpu.memory_space<hbm>>
        tpu.enqueue_dma source(%dma_start3A_25 : memref<1600xi32, #tpu.memory_space<hbm>>) target(%arg8 : memref<1600xi32, #tpu.memory_space<vmem>>) target_semaphore(%run_scoped3A : memref<!tpu.dma_semaphore, #tpu.memory_space<semaphore_mem>>)
        %dma_wait3A_26 = tpu.memref_slice %arg4[%multiple_of3A_19] : memref<6400000xi32, #tpu.memory_space<hbm>> -> memref<1600xi32, #tpu.memory_space<hbm>>
        %dma_wait3A_27 = tpu.memref_slice %arg4[%multiple_of3A_19] : memref<6400000xi32, #tpu.memory_space<hbm>> -> memref<1600xi32, #tpu.memory_space<hbm>>
        tpu.wait_dma2 semaphore(%run_scoped3A : memref<!tpu.dma_semaphore, #tpu.memory_space<semaphore_mem>>) src(%dma_wait3A_27 : memref<1600xi32, #tpu.memory_space<hbm>>) dst(%arg8 : memref<1600xi32, #tpu.memory_space<vmem>>)
        tpu.yield
      }) : () -> ()
      %dma_start3A = arith.constant 0 : i32
      %dma_start3A_20 = arith.constant 0 : i32
      %dma_start3A_21 = tpu.memref_slice %arg2[%dma_start3A, %dma_start3A_20] : memref<100000x16xf32, #tpu.memory_space<hbm>> -> memref<100000x16xf32, #tpu.memory_space<hbm>>
      tpu.enqueue_indirect_dma source(%dma_start3A_21 : memref<100000x16xf32, #tpu.memory_space<hbm>>) target(%arg9 : memref<1600x16xf32, #tpu.memory_space<vmem>>) offsets(%arg7 : memref<1600xi32, #tpu.memory_space<vmem>>) semaphore(%arg11 : memref<!tpu.dma_semaphore, #tpu.memory_space<semaphore_mem>>)
      %dma_wait3A = arith.constant 0 : i32
      %dma_wait3A_22 = arith.constant 0 : i32
      %dma_wait3A_23 = tpu.memref_slice %arg2[%dma_wait3A, %dma_wait3A_22] : memref<100000x16xf32, #tpu.memory_space<hbm>> -> memref<100000x16xf32, #tpu.memory_space<hbm>>
      tpu.wait_indirect_dma semaphore(%arg11 : memref<!tpu.dma_semaphore, #tpu.memory_space<semaphore_mem>>) src(%dma_wait3A_23 : memref<100000x16xf32, #tpu.memory_space<hbm>>) dst(%arg9 : memref<1600x16xf32, #tpu.memory_space<vmem>>)
      "tpu.region"() ({
        %run_scoped3A = tpu.sem_alloc : memref<!tpu.dma_semaphore, #tpu.memory_space<semaphore_mem>>
        %dma_start3A_24 = arith.constant 0 : i32
        %dma_start3A_25 = arith.constant 0 : i32
        %dma_start3A_26 = tpu.memref_slice %arg10[%dma_start3A_24, %dma_start3A_25] : memref<100000x16xf32, #tpu.memory_space<vmem_shared>> -> memref<100000x16xf32, #tpu.memory_space<vmem_shared>>
        tpu.enqueue_indirect_dma source(%arg9 : memref<1600x16xf32, #tpu.memory_space<vmem>>) target(%dma_start3A_26 : memref<100000x16xf32, #tpu.memory_space<vmem_shared>>) offsets(%arg8 : memref<1600xi32, #tpu.memory_space<vmem>>) semaphore(%run_scoped3A : memref<!tpu.dma_semaphore, #tpu.memory_space<semaphore_mem>>) {add = true}
        %dma_wait3A_27 = arith.constant 0 : i32
        %dma_wait3A_28 = arith.constant 0 : i32
        %dma_wait3A_29 = tpu.memref_slice %arg10[%dma_wait3A_27, %dma_wait3A_28] : memref<100000x16xf32, #tpu.memory_space<vmem_shared>> -> memref<100000x16xf32, #tpu.memory_space<vmem_shared>>
        tpu.wait_indirect_dma semaphore(%run_scoped3A : memref<!tpu.dma_semaphore, #tpu.memory_space<semaphore_mem>>) src(%arg9 : memref<1600x16xf32, #tpu.memory_space<vmem>>) dst(%dma_wait3A_29 : memref<100000x16xf32, #tpu.memory_space<vmem_shared>>)
        tpu.yield
      }) : () -> ()
    }
    %scan3A_10 = arith.constant 125 : i32
    %barrier3A_11 = arith.constant 0 : index
    tpu.barrier barrier_id(%barrier3A_11)
    %mul3A_12 = arith.constant 16 : i32
    %mul3A_13 = arith.muli %arg0, %mul3A_12 : i32
    %multiple_of3A_14 = tpu.assume_multiple %mul3A_13, 16 : i32
    "tpu.region"() ({
      %run_scoped3A = tpu.sem_alloc : memref<!tpu.dma_semaphore, #tpu.memory_space<semaphore_mem>>
      %dma_start3A = tpu.memref_slice %arg6[%multiple_of3A, %multiple_of3A_14] : memref<100000x32xf32, #tpu.memory_space<hbm>> -> memref<6256x16xf32, #tpu.memory_space<hbm>>
      %dma_start3A_15 = arith.constant 0 : i32
      %dma_start3A_16 = tpu.memref_slice %arg10[%multiple_of3A, %dma_start3A_15] : memref<100000x16xf32, #tpu.memory_space<vmem_shared>> -> memref<6256x16xf32, #tpu.memory_space<vmem_shared>>
      tpu.enqueue_dma source(%dma_start3A_16 : memref<6256x16xf32, #tpu.memory_space<vmem_shared>>) target(%dma_start3A : memref<6256x16xf32, #tpu.memory_space<hbm>>) target_semaphore(%run_scoped3A : memref<!tpu.dma_semaphore, #tpu.memory_space<semaphore_mem>>)
      %dma_wait3A = tpu.memref_slice %arg6[%multiple_of3A, %multiple_of3A_14] : memref<100000x32xf32, #tpu.memory_space<hbm>> -> memref<6256x16xf32, #tpu.memory_space<hbm>>
      %dma_wait3A_17 = arith.constant 0 : i32
      %dma_wait3A_18 = tpu.memref_slice %arg10[%multiple_of3A, %dma_wait3A_17] : memref<100000x16xf32, #tpu.memory_space<vmem_shared>> -> memref<6256x16xf32, #tpu.memory_space<vmem_shared>>
      tpu.wait_dma2 semaphore(%run_scoped3A : memref<!tpu.dma_semaphore, #tpu.memory_space<semaphore_mem>>) src(%dma_wait3A_18 : memref<6256x16xf32, #tpu.memory_space<vmem_shared>>) dst(%dma_wait3A : memref<6256x16xf32, #tpu.memory_space<hbm>>)
      tpu.yield
    }) : () -> ()
    return
  }
}

#map = affine_map<(d0, d1) -> (0, 0)>
#map1 = affine_map<(d0, d1) -> (0)>
module attributes {stable_mosaic.version = 14 : i64} {
  func.func @kern(%arg0: i32, %arg1: i32, %arg2: memref<400000x16xf32, #tpu.memory_space<hbm>>, %arg3: memref<6400000xi32, #tpu.memory_space<hbm>>, %arg4: memref<6400000xi32, #tpu.memory_space<hbm>>, %arg5: memref<100000x16xf32, #tpu.memory_space<hbm>>, %arg6: memref<100000x64xf32, #tpu.memory_space<hbm>>, %arg7: memref<1600xi32, #tpu.memory_space<vmem>>, %arg8: memref<1600xi32, #tpu.memory_space<vmem>>, %arg9: memref<1600xi32, #tpu.memory_space<vmem>>, %arg10: memref<1600x16xf32, #tpu.memory_space<vmem>>, %arg11: memref<100000x16xf32, #tpu.memory_space<vmem_shared>>, %arg12: memref<!tpu.dma_semaphore, #tpu.memory_space<semaphore_mem>>) attributes {dimension_semantics = [#tpu.dimension_semantics<core_parallel>, #tpu.dimension_semantics<subcore_parallel>], iteration_bounds = array<i64: 2, 16>, scalar_prefetch = 0 : i64, scratch_operands = 6 : i64, tpu.core_type = #tpu.core_type<sc_vector_subcore>, window_params = [{transform_indices = #map}, {transform_indices = #map1}, {transform_indices = #map1}, {transform_indices = #map}, {transform_indices = #map}]} {
    %mul3A = arith.constant 6256 : i32
    %mul3A_0 = arith.muli %arg1, %mul3A : i32
    %min3A = arith.constant 93744 : i32
    %min3A_1 = arith.minsi %mul3A_0, %min3A : i32
    %multiple_of3A = tpu.assume_multiple %min3A_1, 8 : i32
    %mul3A_2 = arith.constant 400000 : i32
    %mul3A_3 = arith.muli %arg1, %mul3A_2 : i32
    %mul3A_4 = arith.constant 2 : i32
    %mul3A_5 = arith.muli %arg0, %mul3A_4 : i32
    %add3A = arith.constant 0 : i32
    %add3A_6 = arith.addi %mul3A_5, %add3A : i32
    "tpu.region"() ({
      %run_scoped3A = tpu.sem_alloc : memref<!tpu.dma_semaphore, #tpu.memory_space<semaphore_mem>>
      %dma_start3A = arith.constant 0 : i32
      %dma_start3A_33 = tpu.memref_slice %arg11[%multiple_of3A, %dma_start3A] : memref<100000x16xf32, #tpu.memory_space<vmem_shared>> -> memref<6256x16xf32, #tpu.memory_space<vmem_shared>>
      %dma_start3A_34 = arith.constant 0 : i32
      %dma_start3A_35 = tpu.memref_slice %arg5[%multiple_of3A, %dma_start3A_34] : memref<100000x16xf32, #tpu.memory_space<hbm>> -> memref<6256x16xf32, #tpu.memory_space<hbm>>
      tpu.enqueue_dma source(%dma_start3A_35 : memref<6256x16xf32, #tpu.memory_space<hbm>>) target(%dma_start3A_33 : memref<6256x16xf32, #tpu.memory_space<vmem_shared>>) target_semaphore(%run_scoped3A : memref<!tpu.dma_semaphore, #tpu.memory_space<semaphore_mem>>)
      %dma_wait3A = arith.constant 0 : i32
      %dma_wait3A_36 = tpu.memref_slice %arg11[%multiple_of3A, %dma_wait3A] : memref<100000x16xf32, #tpu.memory_space<vmem_shared>> -> memref<6256x16xf32, #tpu.memory_space<vmem_shared>>
      %dma_wait3A_37 = arith.constant 0 : i32
      %dma_wait3A_38 = tpu.memref_slice %arg5[%multiple_of3A, %dma_wait3A_37] : memref<100000x16xf32, #tpu.memory_space<hbm>> -> memref<6256x16xf32, #tpu.memory_space<hbm>>
      tpu.wait_dma2 semaphore(%run_scoped3A : memref<!tpu.dma_semaphore, #tpu.memory_space<semaphore_mem>>) src(%dma_wait3A_38 : memref<6256x16xf32, #tpu.memory_space<hbm>>) dst(%dma_wait3A_36 : memref<6256x16xf32, #tpu.memory_space<vmem_shared>>)
      tpu.yield
    }) : () -> ()
    %barrier3A = arith.constant 0 : index
    tpu.barrier barrier_id(%barrier3A)
    %scan3A = arith.constant 0 : i32
    %scan3A_7 = arith.constant 0 : i32
    %scan3A_8 = arith.constant 250 : i32
    %scan3A_9 = arith.addi %scan3A_7, %scan3A_8 : i32
    %scan3A_10 = arith.constant 1 : i32
    scf.for %scan3A_33 = %scan3A_7 to %scan3A_9 step %scan3A_10  : i32 {
      %mul3A_34 = arith.constant 1600 : i32
      %mul3A_35 = arith.muli %scan3A_33, %mul3A_34 : i32
      %add3A_36 = arith.addi %mul3A_3, %mul3A_35 : i32
      %multiple_of3A_37 = tpu.assume_multiple %add3A_36, 8 : i32
      "tpu.region"() ({
        %run_scoped3A = tpu.sem_alloc : memref<!tpu.dma_semaphore, #tpu.memory_space<semaphore_mem>>
        %dma_start3A_48 = tpu.memref_slice %arg3[%multiple_of3A_37] : memref<6400000xi32, #tpu.memory_space<hbm>> -> memref<1600xi32, #tpu.memory_space<hbm>>
        %dma_start3A_49 = tpu.memref_slice %arg3[%multiple_of3A_37] : memref<6400000xi32, #tpu.memory_space<hbm>> -> memref<1600xi32, #tpu.memory_space<hbm>>
        tpu.enqueue_dma source(%dma_start3A_49 : memref<1600xi32, #tpu.memory_space<hbm>>) target(%arg7 : memref<1600xi32, #tpu.memory_space<vmem>>) target_semaphore(%run_scoped3A : memref<!tpu.dma_semaphore, #tpu.memory_space<semaphore_mem>>)
        %dma_wait3A_50 = tpu.memref_slice %arg3[%multiple_of3A_37] : memref<6400000xi32, #tpu.memory_space<hbm>> -> memref<1600xi32, #tpu.memory_space<hbm>>
        %dma_wait3A_51 = tpu.memref_slice %arg3[%multiple_of3A_37] : memref<6400000xi32, #tpu.memory_space<hbm>> -> memref<1600xi32, #tpu.memory_space<hbm>>
        tpu.wait_dma2 semaphore(%run_scoped3A : memref<!tpu.dma_semaphore, #tpu.memory_space<semaphore_mem>>) src(%dma_wait3A_51 : memref<1600xi32, #tpu.memory_space<hbm>>) dst(%arg7 : memref<1600xi32, #tpu.memory_space<vmem>>)
        tpu.yield
      }) : () -> ()
      "tpu.region"() ({
        %run_scoped3A = tpu.sem_alloc : memref<!tpu.dma_semaphore, #tpu.memory_space<semaphore_mem>>
        %dma_start3A_48 = tpu.memref_slice %arg4[%multiple_of3A_37] : memref<6400000xi32, #tpu.memory_space<hbm>> -> memref<1600xi32, #tpu.memory_space<hbm>>
        %dma_start3A_49 = tpu.memref_slice %arg4[%multiple_of3A_37] : memref<6400000xi32, #tpu.memory_space<hbm>> -> memref<1600xi32, #tpu.memory_space<hbm>>
        tpu.enqueue_dma source(%dma_start3A_49 : memref<1600xi32, #tpu.memory_space<hbm>>) target(%arg8 : memref<1600xi32, #tpu.memory_space<vmem>>) target_semaphore(%run_scoped3A : memref<!tpu.dma_semaphore, #tpu.memory_space<semaphore_mem>>)
        %dma_wait3A_50 = tpu.memref_slice %arg4[%multiple_of3A_37] : memref<6400000xi32, #tpu.memory_space<hbm>> -> memref<1600xi32, #tpu.memory_space<hbm>>
        %dma_wait3A_51 = tpu.memref_slice %arg4[%multiple_of3A_37] : memref<6400000xi32, #tpu.memory_space<hbm>> -> memref<1600xi32, #tpu.memory_space<hbm>>
        tpu.wait_dma2 semaphore(%run_scoped3A : memref<!tpu.dma_semaphore, #tpu.memory_space<semaphore_mem>>) src(%dma_wait3A_51 : memref<1600xi32, #tpu.memory_space<hbm>>) dst(%arg8 : memref<1600xi32, #tpu.memory_space<vmem>>)
        tpu.yield
      }) : () -> ()
      %scan3A_38 = arith.constant 0 : i32
      %scan3A_39 = arith.constant 0 : i32
      %scan3A_40 = arith.constant 100 : i32
      %scan3A_41 = arith.addi %scan3A_39, %scan3A_40 : i32
      %scan3A_42 = arith.constant 1 : i32
      scf.for %scan3A_48 = %scan3A_39 to %scan3A_41 step %scan3A_42  : i32 {
        %mul3A_49 = arith.constant 16 : i32
        %mul3A_50 = arith.muli %scan3A_48, %mul3A_49 : i32
        %get3A = arith.index_cast %mul3A_50 : i32 to index
        %get3A_51 = tpu.vector_load %arg7[%get3A] {strides = array<i32>} : memref<1600xi32, #tpu.memory_space<vmem>>, vector<16xi32>,
        %get3A_52 = vector.shape_cast %get3A_51 : vector<16xi32> to vector<16xi32>
        %mul3A_53 = arith.constant 4 : i32
        %mul3A_54 = vector.broadcast %mul3A_53 : i32 to vector<16xi32>
        %mul3A_55 = arith.muli %get3A_52, %mul3A_54 : vector<16xi32>
        %add3A_56 = vector.broadcast %add3A_6 : i32 to vector<16xi32>
        %add3A_57 = arith.addi %mul3A_55, %add3A_56 : vector<16xi32>
        %mul3A_58 = arith.constant 16 : i32
        %mul3A_59 = arith.muli %scan3A_48, %mul3A_58 : i32
        %swap3A = arith.index_cast %mul3A_59 : i32 to index
        %swap3A_60 = tpu.vector_load %arg9[%swap3A] {strides = array<i32>} : memref<1600xi32, #tpu.memory_space<vmem>>, vector<16xi32>,
        %swap3A_61 = vector.shape_cast %swap3A_60 : vector<16xi32> to vector<16xi32>
        %swap3A_62 = vector.shape_cast %add3A_57 : vector<16xi32> to vector<16xi32>
        tpu.vector_store %arg9[%swap3A], %swap3A_62 {strides = array<i32>} : memref<1600xi32, #tpu.memory_space<vmem>>, vector<16xi32>,
      }
      %scan3A_43 = arith.constant 100 : i32
      %dma_start3A = arith.constant 0 : i32
      %dma_start3A_44 = arith.constant 0 : i32
      %dma_start3A_45 = tpu.memref_slice %arg2[%dma_start3A, %dma_start3A_44] : memref<400000x16xf32, #tpu.memory_space<hbm>> -> memref<400000x16xf32, #tpu.memory_space<hbm>>
      tpu.enqueue_indirect_dma source(%dma_start3A_45 : memref<400000x16xf32, #tpu.memory_space<hbm>>) target(%arg10 : memref<1600x16xf32, #tpu.memory_space<vmem>>) offsets(%arg9 : memref<1600xi32, #tpu.memory_space<vmem>>) semaphore(%arg12 : memref<!tpu.dma_semaphore, #tpu.memory_space<semaphore_mem>>)
      %dma_wait3A = arith.constant 0 : i32
      %dma_wait3A_46 = arith.constant 0 : i32
      %dma_wait3A_47 = tpu.memref_slice %arg2[%dma_wait3A, %dma_wait3A_46] : memref<400000x16xf32, #tpu.memory_space<hbm>> -> memref<400000x16xf32, #tpu.memory_space<hbm>>
      tpu.wait_indirect_dma semaphore(%arg12 : memref<!tpu.dma_semaphore, #tpu.memory_space<semaphore_mem>>) src(%dma_wait3A_47 : memref<400000x16xf32, #tpu.memory_space<hbm>>) dst(%arg10 : memref<1600x16xf32, #tpu.memory_space<vmem>>)
      "tpu.region"() ({
        %run_scoped3A = tpu.sem_alloc : memref<!tpu.dma_semaphore, #tpu.memory_space<semaphore_mem>>
        %dma_start3A_48 = arith.constant 0 : i32
        %dma_start3A_49 = arith.constant 0 : i32
        %dma_start3A_50 = tpu.memref_slice %arg11[%dma_start3A_48, %dma_start3A_49] : memref<100000x16xf32, #tpu.memory_space<vmem_shared>> -> memref<100000x16xf32, #tpu.memory_space<vmem_shared>>
        tpu.enqueue_indirect_dma source(%arg10 : memref<1600x16xf32, #tpu.memory_space<vmem>>) target(%dma_start3A_50 : memref<100000x16xf32, #tpu.memory_space<vmem_shared>>) offsets(%arg8 : memref<1600xi32, #tpu.memory_space<vmem>>) semaphore(%run_scoped3A : memref<!tpu.dma_semaphore, #tpu.memory_space<semaphore_mem>>) {add = true}
        %dma_wait3A_51 = arith.constant 0 : i32
        %dma_wait3A_52 = arith.constant 0 : i32
        %dma_wait3A_53 = tpu.memref_slice %arg11[%dma_wait3A_51, %dma_wait3A_52] : memref<100000x16xf32, #tpu.memory_space<vmem_shared>> -> memref<100000x16xf32, #tpu.memory_space<vmem_shared>>
        tpu.wait_indirect_dma semaphore(%run_scoped3A : memref<!tpu.dma_semaphore, #tpu.memory_space<semaphore_mem>>) src(%arg10 : memref<1600x16xf32, #tpu.memory_space<vmem>>) dst(%dma_wait3A_53 : memref<100000x16xf32, #tpu.memory_space<vmem_shared>>)
        tpu.yield
      }) : () -> ()
    }
    %scan3A_11 = arith.constant 250 : i32
    %barrier3A_12 = arith.constant 0 : index
    tpu.barrier barrier_id(%barrier3A_12)
    %mul3A_13 = arith.constant 16 : i32
    %mul3A_14 = arith.muli %add3A_6, %mul3A_13 : i32
    %multiple_of3A_15 = tpu.assume_multiple %mul3A_14, 16 : i32
    "tpu.region"() ({
      %run_scoped3A = tpu.sem_alloc : memref<!tpu.dma_semaphore, #tpu.memory_space<semaphore_mem>>
      %dma_start3A = tpu.memref_slice %arg6[%multiple_of3A, %multiple_of3A_15] : memref<100000x64xf32, #tpu.memory_space<hbm>> -> memref<6256x16xf32, #tpu.memory_space<hbm>>
      %dma_start3A_33 = arith.constant 0 : i32
      %dma_start3A_34 = tpu.memref_slice %arg11[%multiple_of3A, %dma_start3A_33] : memref<100000x16xf32, #tpu.memory_space<vmem_shared>> -> memref<6256x16xf32, #tpu.memory_space<vmem_shared>>
      tpu.enqueue_dma source(%dma_start3A_34 : memref<6256x16xf32, #tpu.memory_space<vmem_shared>>) target(%dma_start3A : memref<6256x16xf32, #tpu.memory_space<hbm>>) target_semaphore(%run_scoped3A : memref<!tpu.dma_semaphore, #tpu.memory_space<semaphore_mem>>)
      %dma_wait3A = tpu.memref_slice %arg6[%multiple_of3A, %multiple_of3A_15] : memref<100000x64xf32, #tpu.memory_space<hbm>> -> memref<6256x16xf32, #tpu.memory_space<hbm>>
      %dma_wait3A_35 = arith.constant 0 : i32
      %dma_wait3A_36 = tpu.memref_slice %arg11[%multiple_of3A, %dma_wait3A_35] : memref<100000x16xf32, #tpu.memory_space<vmem_shared>> -> memref<6256x16xf32, #tpu.memory_space<vmem_shared>>
      tpu.wait_dma2 semaphore(%run_scoped3A : memref<!tpu.dma_semaphore, #tpu.memory_space<semaphore_mem>>) src(%dma_wait3A_36 : memref<6256x16xf32, #tpu.memory_space<vmem_shared>>) dst(%dma_wait3A : memref<6256x16xf32, #tpu.memory_space<hbm>>)
      tpu.yield
    }) : () -> ()
    %barrier3A_16 = arith.constant 0 : index
    tpu.barrier barrier_id(%barrier3A_16)
    %mul3A_17 = arith.constant 2 : i32
    %mul3A_18 = arith.muli %arg0, %mul3A_17 : i32
    %add3A_19 = arith.constant 1 : i32
    %add3A_20 = arith.addi %mul3A_18, %add3A_19 : i32
    "tpu.region"() ({
      %run_scoped3A = tpu.sem_alloc : memref<!tpu.dma_semaphore, #tpu.memory_space<semaphore_mem>>
      %dma_start3A = arith.constant 0 : i32
      %dma_start3A_33 = tpu.memref_slice %arg11[%multiple_of3A, %dma_start3A] : memref<100000x16xf32, #tpu.memory_space<vmem_shared>> -> memref<6256x16xf32, #tpu.memory_space<vmem_shared>>
      %dma_start3A_34 = arith.constant 0 : i32
      %dma_start3A_35 = tpu.memref_slice %arg5[%multiple_of3A, %dma_start3A_34] : memref<100000x16xf32, #tpu.memory_space<hbm>> -> memref<6256x16xf32, #tpu.memory_space<hbm>>
      tpu.enqueue_dma source(%dma_start3A_35 : memref<6256x16xf32, #tpu.memory_space<hbm>>) target(%dma_start3A_33 : memref<6256x16xf32, #tpu.memory_space<vmem_shared>>) target_semaphore(%run_scoped3A : memref<!tpu.dma_semaphore, #tpu.memory_space<semaphore_mem>>)
      %dma_wait3A = arith.constant 0 : i32
      %dma_wait3A_36 = tpu.memref_slice %arg11[%multiple_of3A, %dma_wait3A] : memref<100000x16xf32, #tpu.memory_space<vmem_shared>> -> memref<6256x16xf32, #tpu.memory_space<vmem_shared>>
      %dma_wait3A_37 = arith.constant 0 : i32
      %dma_wait3A_38 = tpu.memref_slice %arg5[%multiple_of3A, %dma_wait3A_37] : memref<100000x16xf32, #tpu.memory_space<hbm>> -> memref<6256x16xf32, #tpu.memory_space<hbm>>
      tpu.wait_dma2 semaphore(%run_scoped3A : memref<!tpu.dma_semaphore, #tpu.memory_space<semaphore_mem>>) src(%dma_wait3A_38 : memref<6256x16xf32, #tpu.memory_space<hbm>>) dst(%dma_wait3A_36 : memref<6256x16xf32, #tpu.memory_space<vmem_shared>>)
      tpu.yield
    }) : () -> ()
    %barrier3A_21 = arith.constant 0 : index
    tpu.barrier barrier_id(%barrier3A_21)
    %scan3A_22 = arith.constant 0 : i32
    %scan3A_23 = arith.constant 0 : i32
    %scan3A_24 = arith.constant 250 : i32
    %scan3A_25 = arith.addi %scan3A_23, %scan3A_24 : i32
    %scan3A_26 = arith.constant 1 : i32
    scf.for %scan3A_33 = %scan3A_23 to %scan3A_25 step %scan3A_26  : i32 {
      %mul3A_34 = arith.constant 1600 : i32
      %mul3A_35 = arith.muli %scan3A_33, %mul3A_34 : i32
      %add3A_36 = arith.addi %mul3A_3, %mul3A_35 : i32
      %multiple_of3A_37 = tpu.assume_multiple %add3A_36, 8 : i32
      "tpu.region"() ({
        %run_scoped3A = tpu.sem_alloc : memref<!tpu.dma_semaphore, #tpu.memory_space<semaphore_mem>>
        %dma_start3A_48 = tpu.memref_slice %arg3[%multiple_of3A_37] : memref<6400000xi32, #tpu.memory_space<hbm>> -> memref<1600xi32, #tpu.memory_space<hbm>>
        %dma_start3A_49 = tpu.memref_slice %arg3[%multiple_of3A_37] : memref<6400000xi32, #tpu.memory_space<hbm>> -> memref<1600xi32, #tpu.memory_space<hbm>>
        tpu.enqueue_dma source(%dma_start3A_49 : memref<1600xi32, #tpu.memory_space<hbm>>) target(%arg7 : memref<1600xi32, #tpu.memory_space<vmem>>) target_semaphore(%run_scoped3A : memref<!tpu.dma_semaphore, #tpu.memory_space<semaphore_mem>>)
        %dma_wait3A_50 = tpu.memref_slice %arg3[%multiple_of3A_37] : memref<6400000xi32, #tpu.memory_space<hbm>> -> memref<1600xi32, #tpu.memory_space<hbm>>
        %dma_wait3A_51 = tpu.memref_slice %arg3[%multiple_of3A_37] : memref<6400000xi32, #tpu.memory_space<hbm>> -> memref<1600xi32, #tpu.memory_space<hbm>>
        tpu.wait_dma2 semaphore(%run_scoped3A : memref<!tpu.dma_semaphore, #tpu.memory_space<semaphore_mem>>) src(%dma_wait3A_51 : memref<1600xi32, #tpu.memory_space<hbm>>) dst(%arg7 : memref<1600xi32, #tpu.memory_space<vmem>>)
        tpu.yield
      }) : () -> ()
      "tpu.region"() ({
        %run_scoped3A = tpu.sem_alloc : memref<!tpu.dma_semaphore, #tpu.memory_space<semaphore_mem>>
        %dma_start3A_48 = tpu.memref_slice %arg4[%multiple_of3A_37] : memref<6400000xi32, #tpu.memory_space<hbm>> -> memref<1600xi32, #tpu.memory_space<hbm>>
        %dma_start3A_49 = tpu.memref_slice %arg4[%multiple_of3A_37] : memref<6400000xi32, #tpu.memory_space<hbm>> -> memref<1600xi32, #tpu.memory_space<hbm>>
        tpu.enqueue_dma source(%dma_start3A_49 : memref<1600xi32, #tpu.memory_space<hbm>>) target(%arg8 : memref<1600xi32, #tpu.memory_space<vmem>>) target_semaphore(%run_scoped3A : memref<!tpu.dma_semaphore, #tpu.memory_space<semaphore_mem>>)
        %dma_wait3A_50 = tpu.memref_slice %arg4[%multiple_of3A_37] : memref<6400000xi32, #tpu.memory_space<hbm>> -> memref<1600xi32, #tpu.memory_space<hbm>>
        %dma_wait3A_51 = tpu.memref_slice %arg4[%multiple_of3A_37] : memref<6400000xi32, #tpu.memory_space<hbm>> -> memref<1600xi32, #tpu.memory_space<hbm>>
        tpu.wait_dma2 semaphore(%run_scoped3A : memref<!tpu.dma_semaphore, #tpu.memory_space<semaphore_mem>>) src(%dma_wait3A_51 : memref<1600xi32, #tpu.memory_space<hbm>>) dst(%arg8 : memref<1600xi32, #tpu.memory_space<vmem>>)
        tpu.yield
      }) : () -> ()
      %scan3A_38 = arith.constant 0 : i32
      %scan3A_39 = arith.constant 0 : i32
      %scan3A_40 = arith.constant 100 : i32
      %scan3A_41 = arith.addi %scan3A_39, %scan3A_40 : i32
      %scan3A_42 = arith.constant 1 : i32
      scf.for %scan3A_48 = %scan3A_39 to %scan3A_41 step %scan3A_42  : i32 {
        %mul3A_49 = arith.constant 16 : i32
        %mul3A_50 = arith.muli %scan3A_48, %mul3A_49 : i32
        %get3A = arith.index_cast %mul3A_50 : i32 to index
        %get3A_51 = tpu.vector_load %arg7[%get3A] {strides = array<i32>} : memref<1600xi32, #tpu.memory_space<vmem>>, vector<16xi32>,
        %get3A_52 = vector.shape_cast %get3A_51 : vector<16xi32> to vector<16xi32>
        %mul3A_53 = arith.constant 4 : i32
        %mul3A_54 = vector.broadcast %mul3A_53 : i32 to vector<16xi32>
        %mul3A_55 = arith.muli %get3A_52, %mul3A_54 : vector<16xi32>
        %add3A_56 = vector.broadcast %add3A_20 : i32 to vector<16xi32>
        %add3A_57 = arith.addi %mul3A_55, %add3A_56 : vector<16xi32>
        %mul3A_58 = arith.constant 16 : i32
        %mul3A_59 = arith.muli %scan3A_48, %mul3A_58 : i32
        %swap3A = arith.index_cast %mul3A_59 : i32 to index
        %swap3A_60 = tpu.vector_load %arg9[%swap3A] {strides = array<i32>} : memref<1600xi32, #tpu.memory_space<vmem>>, vector<16xi32>,
        %swap3A_61 = vector.shape_cast %swap3A_60 : vector<16xi32> to vector<16xi32>
        %swap3A_62 = vector.shape_cast %add3A_57 : vector<16xi32> to vector<16xi32>
        tpu.vector_store %arg9[%swap3A], %swap3A_62 {strides = array<i32>} : memref<1600xi32, #tpu.memory_space<vmem>>, vector<16xi32>,
      }
      %scan3A_43 = arith.constant 100 : i32
      %dma_start3A = arith.constant 0 : i32
      %dma_start3A_44 = arith.constant 0 : i32
      %dma_start3A_45 = tpu.memref_slice %arg2[%dma_start3A, %dma_start3A_44] : memref<400000x16xf32, #tpu.memory_space<hbm>> -> memref<400000x16xf32, #tpu.memory_space<hbm>>
      tpu.enqueue_indirect_dma source(%dma_start3A_45 : memref<400000x16xf32, #tpu.memory_space<hbm>>) target(%arg10 : memref<1600x16xf32, #tpu.memory_space<vmem>>) offsets(%arg9 : memref<1600xi32, #tpu.memory_space<vmem>>) semaphore(%arg12 : memref<!tpu.dma_semaphore, #tpu.memory_space<semaphore_mem>>)
      %dma_wait3A = arith.constant 0 : i32
      %dma_wait3A_46 = arith.constant 0 : i32
      %dma_wait3A_47 = tpu.memref_slice %arg2[%dma_wait3A, %dma_wait3A_46] : memref<400000x16xf32, #tpu.memory_space<hbm>> -> memref<400000x16xf32, #tpu.memory_space<hbm>>
      tpu.wait_indirect_dma semaphore(%arg12 : memref<!tpu.dma_semaphore, #tpu.memory_space<semaphore_mem>>) src(%dma_wait3A_47 : memref<400000x16xf32, #tpu.memory_space<hbm>>) dst(%arg10 : memref<1600x16xf32, #tpu.memory_space<vmem>>)
      "tpu.region"() ({
        %run_scoped3A = tpu.sem_alloc : memref<!tpu.dma_semaphore, #tpu.memory_space<semaphore_mem>>
        %dma_start3A_48 = arith.constant 0 : i32
        %dma_start3A_49 = arith.constant 0 : i32
        %dma_start3A_50 = tpu.memref_slice %arg11[%dma_start3A_48, %dma_start3A_49] : memref<100000x16xf32, #tpu.memory_space<vmem_shared>> -> memref<100000x16xf32, #tpu.memory_space<vmem_shared>>
        tpu.enqueue_indirect_dma source(%arg10 : memref<1600x16xf32, #tpu.memory_space<vmem>>) target(%dma_start3A_50 : memref<100000x16xf32, #tpu.memory_space<vmem_shared>>) offsets(%arg8 : memref<1600xi32, #tpu.memory_space<vmem>>) semaphore(%run_scoped3A : memref<!tpu.dma_semaphore, #tpu.memory_space<semaphore_mem>>) {add = true}
        %dma_wait3A_51 = arith.constant 0 : i32
        %dma_wait3A_52 = arith.constant 0 : i32
        %dma_wait3A_53 = tpu.memref_slice %arg11[%dma_wait3A_51, %dma_wait3A_52] : memref<100000x16xf32, #tpu.memory_space<vmem_shared>> -> memref<100000x16xf32, #tpu.memory_space<vmem_shared>>
        tpu.wait_indirect_dma semaphore(%run_scoped3A : memref<!tpu.dma_semaphore, #tpu.memory_space<semaphore_mem>>) src(%arg10 : memref<1600x16xf32, #tpu.memory_space<vmem>>) dst(%dma_wait3A_53 : memref<100000x16xf32, #tpu.memory_space<vmem_shared>>)
        tpu.yield
      }) : () -> ()
    }
    %scan3A_27 = arith.constant 250 : i32
    %barrier3A_28 = arith.constant 0 : index
    tpu.barrier barrier_id(%barrier3A_28)
    %mul3A_29 = arith.constant 16 : i32
    %mul3A_30 = arith.muli %add3A_20, %mul3A_29 : i32
    %multiple_of3A_31 = tpu.assume_multiple %mul3A_30, 16 : i32
    "tpu.region"() ({
      %run_scoped3A = tpu.sem_alloc : memref<!tpu.dma_semaphore, #tpu.memory_space<semaphore_mem>>
      %dma_start3A = tpu.memref_slice %arg6[%multiple_of3A, %multiple_of3A_31] : memref<100000x64xf32, #tpu.memory_space<hbm>> -> memref<6256x16xf32, #tpu.memory_space<hbm>>
      %dma_start3A_33 = arith.constant 0 : i32
      %dma_start3A_34 = tpu.memref_slice %arg11[%multiple_of3A, %dma_start3A_33] : memref<100000x16xf32, #tpu.memory_space<vmem_shared>> -> memref<6256x16xf32, #tpu.memory_space<vmem_shared>>
      tpu.enqueue_dma source(%dma_start3A_34 : memref<6256x16xf32, #tpu.memory_space<vmem_shared>>) target(%dma_start3A : memref<6256x16xf32, #tpu.memory_space<hbm>>) target_semaphore(%run_scoped3A : memref<!tpu.dma_semaphore, #tpu.memory_space<semaphore_mem>>)
      %dma_wait3A = tpu.memref_slice %arg6[%multiple_of3A, %multiple_of3A_31] : memref<100000x64xf32, #tpu.memory_space<hbm>> -> memref<6256x16xf32, #tpu.memory_space<hbm>>
      %dma_wait3A_35 = arith.constant 0 : i32
      %dma_wait3A_36 = tpu.memref_slice %arg11[%multiple_of3A, %dma_wait3A_35] : memref<100000x16xf32, #tpu.memory_space<vmem_shared>> -> memref<6256x16xf32, #tpu.memory_space<vmem_shared>>
      tpu.wait_dma2 semaphore(%run_scoped3A : memref<!tpu.dma_semaphore, #tpu.memory_space<semaphore_mem>>) src(%dma_wait3A_36 : memref<6256x16xf32, #tpu.memory_space<vmem_shared>>) dst(%dma_wait3A : memref<6256x16xf32, #tpu.memory_space<hbm>>)
      tpu.yield
    }) : () -> ()
    %barrier3A_32 = arith.constant 0 : index
    tpu.barrier barrier_id(%barrier3A_32)
    return
  }
}

module attributes {stable_mosaic.version = 14 : i64} {
  func.func @kern(%arg0: i32, %arg1: memref<4000x32xf32, #tpu.memory_space<vmem>>, %arg2: memref<4000x16xf32, #tpu.memory_space<vmem>>, %arg3: memref<32x64xf32, #tpu.memory_space<vmem>>, %arg4: memref<16x64xf32, #tpu.memory_space<vmem>>, %arg5: memref<1x64xf32, #tpu.memory_space<vmem>>, %arg6: memref<4000x64xf32, #tpu.memory_space<vmem>>, %arg7: memref<8x64xf32, #tpu.memory_space<vmem>>, %arg8: memref<8x64xf32, #tpu.memory_space<vmem>>) attributes {dimension_semantics = [#tpu.dimension_semantics<arbitrary>], iteration_bounds = array<i64: 25>, scalar_prefetch = 0 : i64, scratch_operands = 1 : i64, tpu.core_type = #tpu.core_type<tc>, window_params = [{transform_indices = @transform_0, window_bounds = array<i64: 4000, 32>}, {transform_indices = @transform_1, window_bounds = array<i64: 4000, 16>}, {pipeline_mode = #tpu.pipeline_mode<synchronous>, transform_indices = @transform_2, window_bounds = array<i64: 32, 64>}, {pipeline_mode = #tpu.pipeline_mode<synchronous>, transform_indices = @transform_3, window_bounds = array<i64: 16, 64>}, {pipeline_mode = #tpu.pipeline_mode<synchronous>, transform_indices = @transform_4, window_bounds = array<i64: 1, 64>}, {transform_indices = @transform_5, window_bounds = array<i64: 4000, 64>}, {pipeline_mode = #tpu.pipeline_mode<synchronous>, transform_indices = @transform_6, window_bounds = array<i64: 8, 64>}]} {
    %get3A = arith.constant 0 : index
    %get3A_0 = arith.constant 0 : index
    %get3A_1 = vector.load %arg1[%get3A, %get3A_0] : memref<4000x32xf32, #tpu.memory_space<vmem>>, vector<4000x32xf32>
    %get3A_2 = arith.constant 0 : index
    %get3A_3 = arith.constant 0 : index
    %get3A_4 = vector.load %arg3[%get3A_2, %get3A_3] : memref<32x64xf32, #tpu.memory_space<vmem>>, vector<32x64xf32>
    %dot_general3A = arith.constant dense<0.000000e+00> : vector<4000x64xf32>
    %dot_general3A_5 = tpu.matmul %get3A_1, %get3A_4, %dot_general3A {dimension_numbers = #tpu.dot_dimension_numbers<[1], [0], [0], [1], [0, 0, 1, 1], [], []>, precision = #tpu.contract_precision<fp32>, transpose_lhs_hint = false} : vector<4000x32xf32>, vector<32x64xf32>, vector<4000x64xf32> -> vector<4000x64xf32>
    %get3A_6 = arith.constant 0 : index
    %get3A_7 = arith.constant 0 : index
    %get3A_8 = vector.load %arg2[%get3A_6, %get3A_7] : memref<4000x16xf32, #tpu.memory_space<vmem>>, vector<4000x16xf32>
    %get3A_9 = arith.constant 0 : index
    %get3A_10 = arith.constant 0 : index
    %get3A_11 = vector.load %arg4[%get3A_9, %get3A_10] : memref<16x64xf32, #tpu.memory_space<vmem>>, vector<16x64xf32>
    %dot_general3A_12 = arith.constant dense<0.000000e+00> : vector<4000x64xf32>
    %dot_general3A_13 = tpu.matmul %get3A_8, %get3A_11, %dot_general3A_12 {dimension_numbers = #tpu.dot_dimension_numbers<[1], [0], [0], [1], [0, 0, 1, 1], [], []>, precision = #tpu.contract_precision<fp32>, transpose_lhs_hint = false} : vector<4000x16xf32>, vector<16x64xf32>, vector<4000x64xf32> -> vector<4000x64xf32>
    %add3A = arith.addf %dot_general3A_5, %dot_general3A_13 : vector<4000x64xf32>
    %get3A_14 = arith.constant 0 : index
    %get3A_15 = arith.constant 0 : index
    %get3A_16 = vector.load %arg5[%get3A_14, %get3A_15] : memref<1x64xf32, #tpu.memory_space<vmem>>, vector<1x64xf32>
    %add3A_17 = vector.broadcast %get3A_16 : vector<1x64xf32> to vector<4000x64xf32>
    %add3A_18 = arith.addf %add3A, %add3A_17 : vector<4000x64xf32>
    %swap3A = arith.constant 0 : index
    %swap3A_19 = arith.constant 0 : index
    %swap3A_20 = vector.load %arg6[%swap3A, %swap3A_19] : memref<4000x64xf32, #tpu.memory_space<vmem>>, vector<4000x64xf32>
    tpu.vector_store %arg6[%swap3A, %swap3A_19], %add3A_18 {strides = array<i32>} : memref<4000x64xf32, #tpu.memory_space<vmem>>, vector<4000x64xf32>,
    %eq3A = arith.constant 0 : i32
    %eq3A_21 = arith.cmpi eq, %arg0, %eq3A : i32
    %convert_element_type3A = arith.extui %eq3A_21 : i1 to i32
    %cond3A = arith.constant 0 : i32
    %cond3A_22 = arith.cmpi ne, %convert_element_type3A, %cond3A : i32
    scf.if %cond3A_22 {
      %broadcast_in_dim3A_46 = arith.constant 0.000000e+00 : f32
      %broadcast_in_dim3A_47 = vector.broadcast %broadcast_in_dim3A_46 : f32 to vector<8x64xf32>
      %swap3A_48 = arith.constant 0 : index
      %swap3A_49 = arith.constant 0 : index
      %swap3A_50 = vector.load %arg8[%swap3A_48, %swap3A_49] : memref<8x64xf32, #tpu.memory_space<vmem>>, vector<8x64xf32>
      tpu.vector_store %arg8[%swap3A_48, %swap3A_49], %broadcast_in_dim3A_47 {strides = array<i32>} : memref<8x64xf32, #tpu.memory_space<vmem>>, vector<8x64xf32>,
    } else {
    }
    %get3A_23 = arith.constant 0 : index
    %get3A_24 = arith.constant 0 : index
    %get3A_25 = vector.load %arg8[%get3A_23, %get3A_24] : memref<8x64xf32, #tpu.memory_space<vmem>>, vector<1x64xf32>
    %reduce_sum3A = arith.constant dense<0.000000e+00> : vector<64xf32>
    %reduce_sum3A_26 = vector.multi_reduction <add>, %add3A_18, %reduce_sum3A [0] : vector<4000x64xf32> to vector<64xf32>
    %broadcast_in_dim3A = vector.shape_cast %reduce_sum3A_26 : vector<64xf32> to vector<1x64xf32>
    %add3A_27 = arith.addf %get3A_25, %broadcast_in_dim3A : vector<1x64xf32>
    %swap3A_28 = arith.constant 0 : index
    %swap3A_29 = arith.constant 0 : index
    %swap3A_30 = vector.load %arg8[%swap3A_28, %swap3A_29] : memref<8x64xf32, #tpu.memory_space<vmem>>, vector<1x64xf32>
    tpu.vector_store %arg8[%swap3A_28, %swap3A_29], %add3A_27 {strides = array<i32>} : memref<8x64xf32, #tpu.memory_space<vmem>>, vector<1x64xf32>,
    %get3A_31 = arith.constant 1 : index
    %get3A_32 = arith.constant 0 : index
    %get3A_33 = vector.load %arg8[%get3A_31, %get3A_32] : memref<8x64xf32, #tpu.memory_space<vmem>>, vector<1x64xf32>
    %mul3A = arith.mulf %add3A_18, %add3A_18 : vector<4000x64xf32>
    %reduce_sum3A_34 = arith.constant dense<0.000000e+00> : vector<64xf32>
    %reduce_sum3A_35 = vector.multi_reduction <add>, %mul3A, %reduce_sum3A_34 [0] : vector<4000x64xf32> to vector<64xf32>
    %broadcast_in_dim3A_36 = vector.shape_cast %reduce_sum3A_35 : vector<64xf32> to vector<1x64xf32>
    %add3A_37 = arith.addf %get3A_33, %broadcast_in_dim3A_36 : vector<1x64xf32>
    %swap3A_38 = arith.constant 1 : index
    %swap3A_39 = arith.constant 0 : index
    %swap3A_40 = vector.load %arg8[%swap3A_38, %swap3A_39] : memref<8x64xf32, #tpu.memory_space<vmem>>, vector<1x64xf32>
    tpu.vector_store %arg8[%swap3A_38, %swap3A_39], %add3A_37 {strides = array<i32>} : memref<8x64xf32, #tpu.memory_space<vmem>>, vector<1x64xf32>,
    %eq3A_41 = arith.constant 24 : i32
    %eq3A_42 = arith.cmpi eq, %arg0, %eq3A_41 : i32
    %convert_element_type3A_43 = arith.extui %eq3A_42 : i1 to i32
    %cond3A_44 = arith.constant 0 : i32
    %cond3A_45 = arith.cmpi ne, %convert_element_type3A_43, %cond3A_44 : i32
    scf.if %cond3A_45 {
      %get3A_46 = arith.constant 0 : index
      %get3A_47 = arith.constant 0 : index
      %get3A_48 = vector.load %arg8[%get3A_46, %get3A_47] : memref<8x64xf32, #tpu.memory_space<vmem>>, vector<8x64xf32>
      %swap3A_49 = arith.constant 0 : index
      %swap3A_50 = arith.constant 0 : index
      %swap3A_51 = vector.load %arg7[%swap3A_49, %swap3A_50] : memref<8x64xf32, #tpu.memory_space<vmem>>, vector<8x64xf32>
      tpu.vector_store %arg7[%swap3A_49, %swap3A_50], %get3A_48 {strides = array<i32>} : memref<8x64xf32, #tpu.memory_space<vmem>>, vector<8x64xf32>,
    } else {
    }
    return
  }
  func.func @transform_0(%arg0: i32) -> (i32, i32) {
    %c0_i32 = arith.constant 0 : i32
    %c0_i32_0 = arith.constant 0 : i32
    return %arg0, %c0_i32 : i32, i32
  }
  func.func @transform_1(%arg0: i32) -> (i32, i32) {
    %c0_i32 = arith.constant 0 : i32
    %c0_i32_0 = arith.constant 0 : i32
    return %arg0, %c0_i32 : i32, i32
  }
  func.func @transform_2(%arg0: i32) -> (i32, i32) {
    %c0_i32 = arith.constant 0 : i32
    %c0_i32_0 = arith.constant 0 : i32
    %c0_i32_1 = arith.constant 0 : i32
    return %c0_i32, %c0_i32_0 : i32, i32
  }
  func.func @transform_3(%arg0: i32) -> (i32, i32) {
    %c0_i32 = arith.constant 0 : i32
    %c0_i32_0 = arith.constant 0 : i32
    %c0_i32_1 = arith.constant 0 : i32
    return %c0_i32, %c0_i32_0 : i32, i32
  }
  func.func @transform_4(%arg0: i32) -> (i32, i32) {
    %c0_i32 = arith.constant 0 : i32
    %c0_i32_0 = arith.constant 0 : i32
    %c0_i32_1 = arith.constant 0 : i32
    return %c0_i32, %c0_i32_0 : i32, i32
  }
  func.func @transform_5(%arg0: i32) -> (i32, i32) {
    %c0_i32 = arith.constant 0 : i32
    %c0_i32_0 = arith.constant 0 : i32
    return %arg0, %c0_i32 : i32, i32
  }
  func.func @transform_6(%arg0: i32) -> (i32, i32) {
    %c0_i32 = arith.constant 0 : i32
    %c0_i32_0 = arith.constant 0 : i32
    %c0_i32_1 = arith.constant 0 : i32
    return %c0_i32, %c0_i32_0 : i32, i32
  }
}

module attributes {stable_mosaic.version = 14 : i64} {
  func.func @kern(%arg0: i32, %arg1: memref<4000x64xf32, #tpu.memory_space<vmem>>, %arg2: memref<8x64xf32, #tpu.memory_space<vmem>>, %arg3: memref<1x64xf32, #tpu.memory_space<vmem>>, %arg4: memref<1x64xf32, #tpu.memory_space<vmem>>, %arg5: memref<64x64xf32, #tpu.memory_space<vmem>>, %arg6: memref<1x64xf32, #tpu.memory_space<vmem>>, %arg7: memref<4000x64xf32, #tpu.memory_space<vmem>>) attributes {dimension_semantics = [#tpu.dimension_semantics<arbitrary>], iteration_bounds = array<i64: 25>, scalar_prefetch = 0 : i64, scratch_operands = 0 : i64, tpu.core_type = #tpu.core_type<tc>, window_params = [{transform_indices = @transform_0, window_bounds = array<i64: 4000, 64>}, {pipeline_mode = #tpu.pipeline_mode<synchronous>, transform_indices = @transform_1, window_bounds = array<i64: 8, 64>}, {pipeline_mode = #tpu.pipeline_mode<synchronous>, transform_indices = @transform_2, window_bounds = array<i64: 1, 64>}, {pipeline_mode = #tpu.pipeline_mode<synchronous>, transform_indices = @transform_3, window_bounds = array<i64: 1, 64>}, {pipeline_mode = #tpu.pipeline_mode<synchronous>, transform_indices = @transform_4, window_bounds = array<i64: 64, 64>}, {pipeline_mode = #tpu.pipeline_mode<synchronous>, transform_indices = @transform_5, window_bounds = array<i64: 1, 64>}, {transform_indices = @transform_6, window_bounds = array<i64: 4000, 64>}]} {
    %get3A = arith.constant 0 : index
    %get3A_0 = arith.constant 0 : index
    %get3A_1 = vector.load %arg2[%get3A, %get3A_0] : memref<8x64xf32, #tpu.memory_space<vmem>>, vector<1x64xf32>
    %mul3A = arith.constant 9.99999974E-6 : f32
    %mul3A_2 = vector.broadcast %mul3A : f32 to vector<1x64xf32>
    %mul3A_3 = arith.mulf %get3A_1, %mul3A_2 : vector<1x64xf32>
    %get3A_4 = arith.constant 1 : index
    %get3A_5 = arith.constant 0 : index
    %get3A_6 = vector.load %arg2[%get3A_4, %get3A_5] : memref<8x64xf32, #tpu.memory_space<vmem>>, vector<1x64xf32>
    %mul3A_7 = arith.constant 9.99999974E-6 : f32
    %mul3A_8 = vector.broadcast %mul3A_7 : f32 to vector<1x64xf32>
    %mul3A_9 = arith.mulf %get3A_6, %mul3A_8 : vector<1x64xf32>
    %mul3A_10 = arith.mulf %mul3A_3, %mul3A_3 : vector<1x64xf32>
    %sub3A = arith.subf %mul3A_9, %mul3A_10 : vector<1x64xf32>
    %add3A = arith.constant 9.99999974E-6 : f32
    %add3A_11 = vector.broadcast %add3A : f32 to vector<1x64xf32>
    %add3A_12 = arith.addf %sub3A, %add3A_11 : vector<1x64xf32>
    %rsqrt3A = math.rsqrt %add3A_12 : vector<1x64xf32>
    %get3A_13 = arith.constant 0 : index
    %get3A_14 = arith.constant 0 : index
    %get3A_15 = vector.load %arg3[%get3A_13, %get3A_14] : memref<1x64xf32, #tpu.memory_space<vmem>>, vector<1x64xf32>
    %mul3A_16 = arith.mulf %rsqrt3A, %get3A_15 : vector<1x64xf32>
    %get3A_17 = arith.constant 0 : index
    %get3A_18 = arith.constant 0 : index
    %get3A_19 = vector.load %arg1[%get3A_17, %get3A_18] : memref<4000x64xf32, #tpu.memory_space<vmem>>, vector<4000x64xf32>
    %sub3A_20 = vector.broadcast %mul3A_3 : vector<1x64xf32> to vector<4000x64xf32>
    %sub3A_21 = arith.subf %get3A_19, %sub3A_20 : vector<4000x64xf32>
    %mul3A_22 = vector.broadcast %mul3A_16 : vector<1x64xf32> to vector<4000x64xf32>
    %mul3A_23 = arith.mulf %sub3A_21, %mul3A_22 : vector<4000x64xf32>
    %get3A_24 = arith.constant 0 : index
    %get3A_25 = arith.constant 0 : index
    %get3A_26 = vector.load %arg4[%get3A_24, %get3A_25] : memref<1x64xf32, #tpu.memory_space<vmem>>, vector<1x64xf32>
    %add3A_27 = vector.broadcast %get3A_26 : vector<1x64xf32> to vector<4000x64xf32>
    %add3A_28 = arith.addf %mul3A_23, %add3A_27 : vector<4000x64xf32>
    %max3A = arith.constant 0.000000e+00 : f32
    %max3A_29 = vector.broadcast %max3A : f32 to vector<4000x64xf32>
    %max3A_30 = arith.maximumf %add3A_28, %max3A_29 : vector<4000x64xf32>
    %get3A_31 = arith.constant 0 : index
    %get3A_32 = arith.constant 0 : index
    %get3A_33 = vector.load %arg5[%get3A_31, %get3A_32] : memref<64x64xf32, #tpu.memory_space<vmem>>, vector<64x64xf32>
    %dot_general3A = arith.constant dense<0.000000e+00> : vector<4000x64xf32>
    %dot_general3A_34 = tpu.matmul %max3A_30, %get3A_33, %dot_general3A {dimension_numbers = #tpu.dot_dimension_numbers<[1], [0], [0], [1], [0, 0, 1, 1], [], []>, precision = #tpu.contract_precision<fp32>, transpose_lhs_hint = false} : vector<4000x64xf32>, vector<64x64xf32>, vector<4000x64xf32> -> vector<4000x64xf32>
    %get3A_35 = arith.constant 0 : index
    %get3A_36 = arith.constant 0 : index
    %get3A_37 = vector.load %arg6[%get3A_35, %get3A_36] : memref<1x64xf32, #tpu.memory_space<vmem>>, vector<1x64xf32>
    %add3A_38 = vector.broadcast %get3A_37 : vector<1x64xf32> to vector<4000x64xf32>
    %add3A_39 = arith.addf %dot_general3A_34, %add3A_38 : vector<4000x64xf32>
    %max3A_40 = arith.constant 0.000000e+00 : f32
    %max3A_41 = vector.broadcast %max3A_40 : f32 to vector<4000x64xf32>
    %max3A_42 = arith.maximumf %add3A_39, %max3A_41 : vector<4000x64xf32>
    %swap3A = arith.constant 0 : index
    %swap3A_43 = arith.constant 0 : index
    %swap3A_44 = vector.load %arg7[%swap3A, %swap3A_43] : memref<4000x64xf32, #tpu.memory_space<vmem>>, vector<4000x64xf32>
    tpu.vector_store %arg7[%swap3A, %swap3A_43], %max3A_42 {strides = array<i32>} : memref<4000x64xf32, #tpu.memory_space<vmem>>, vector<4000x64xf32>,
    return
  }
  func.func @transform_0(%arg0: i32) -> (i32, i32) {
    %c0_i32 = arith.constant 0 : i32
    %c0_i32_0 = arith.constant 0 : i32
    return %arg0, %c0_i32 : i32, i32
  }
  func.func @transform_1(%arg0: i32) -> (i32, i32) {
    %c0_i32 = arith.constant 0 : i32
    %c0_i32_0 = arith.constant 0 : i32
    %c0_i32_1 = arith.constant 0 : i32
    return %c0_i32, %c0_i32_0 : i32, i32
  }
  func.func @transform_2(%arg0: i32) -> (i32, i32) {
    %c0_i32 = arith.constant 0 : i32
    %c0_i32_0 = arith.constant 0 : i32
    %c0_i32_1 = arith.constant 0 : i32
    return %c0_i32, %c0_i32_0 : i32, i32
  }
  func.func @transform_3(%arg0: i32) -> (i32, i32) {
    %c0_i32 = arith.constant 0 : i32
    %c0_i32_0 = arith.constant 0 : i32
    %c0_i32_1 = arith.constant 0 : i32
    return %c0_i32, %c0_i32_0 : i32, i32
  }
  func.func @transform_4(%arg0: i32) -> (i32, i32) {
    %c0_i32 = arith.constant 0 : i32
    %c0_i32_0 = arith.constant 0 : i32
    %c0_i32_1 = arith.constant 0 : i32
    return %c0_i32, %c0_i32_0 : i32, i32
  }
  func.func @transform_5(%arg0: i32) -> (i32, i32) {
    %c0_i32 = arith.constant 0 : i32
    %c0_i32_0 = arith.constant 0 : i32
    %c0_i32_1 = arith.constant 0 : i32
    return %c0_i32, %c0_i32_0 : i32, i32
  }
  func.func @transform_6(%arg0: i32) -> (i32, i32) {
    %c0_i32 = arith.constant 0 : i32
    %c0_i32_0 = arith.constant 0 : i32
    return %arg0, %c0_i32 : i32, i32
  }
}

module attributes {stable_mosaic.version = 14 : i64} {
  func.func @kern(%arg0: i32, %arg1: memref<4000x64xf32, #tpu.memory_space<vmem>>, %arg2: memref<4000x64xf32, #tpu.memory_space<vmem>>, %arg3: memref<64x64xf32, #tpu.memory_space<vmem>>, %arg4: memref<64x64xf32, #tpu.memory_space<vmem>>, %arg5: memref<1x64xf32, #tpu.memory_space<vmem>>, %arg6: memref<4000x64xf32, #tpu.memory_space<vmem>>, %arg7: memref<8x64xf32, #tpu.memory_space<vmem>>, %arg8: memref<8x64xf32, #tpu.memory_space<vmem>>) attributes {dimension_semantics = [#tpu.dimension_semantics<arbitrary>], iteration_bounds = array<i64: 25>, scalar_prefetch = 0 : i64, scratch_operands = 1 : i64, tpu.core_type = #tpu.core_type<tc>, window_params = [{transform_indices = @transform_0, window_bounds = array<i64: 4000, 64>}, {transform_indices = @transform_1, window_bounds = array<i64: 4000, 64>}, {pipeline_mode = #tpu.pipeline_mode<synchronous>, transform_indices = @transform_2, window_bounds = array<i64: 64, 64>}, {pipeline_mode = #tpu.pipeline_mode<synchronous>, transform_indices = @transform_3, window_bounds = array<i64: 64, 64>}, {pipeline_mode = #tpu.pipeline_mode<synchronous>, transform_indices = @transform_4, window_bounds = array<i64: 1, 64>}, {transform_indices = @transform_5, window_bounds = array<i64: 4000, 64>}, {pipeline_mode = #tpu.pipeline_mode<synchronous>, transform_indices = @transform_6, window_bounds = array<i64: 8, 64>}]} {
    %get3A = arith.constant 0 : index
    %get3A_0 = arith.constant 0 : index
    %get3A_1 = vector.load %arg1[%get3A, %get3A_0] : memref<4000x64xf32, #tpu.memory_space<vmem>>, vector<4000x64xf32>
    %get3A_2 = arith.constant 0 : index
    %get3A_3 = arith.constant 0 : index
    %get3A_4 = vector.load %arg3[%get3A_2, %get3A_3] : memref<64x64xf32, #tpu.memory_space<vmem>>, vector<64x64xf32>
    %dot_general3A = arith.constant dense<0.000000e+00> : vector<4000x64xf32>
    %dot_general3A_5 = tpu.matmul %get3A_1, %get3A_4, %dot_general3A {dimension_numbers = #tpu.dot_dimension_numbers<[1], [0], [0], [1], [0, 0, 1, 1], [], []>, precision = #tpu.contract_precision<fp32>, transpose_lhs_hint = false} : vector<4000x64xf32>, vector<64x64xf32>, vector<4000x64xf32> -> vector<4000x64xf32>
    %get3A_6 = arith.constant 0 : index
    %get3A_7 = arith.constant 0 : index
    %get3A_8 = vector.load %arg2[%get3A_6, %get3A_7] : memref<4000x64xf32, #tpu.memory_space<vmem>>, vector<4000x64xf32>
    %get3A_9 = arith.constant 0 : index
    %get3A_10 = arith.constant 0 : index
    %get3A_11 = vector.load %arg4[%get3A_9, %get3A_10] : memref<64x64xf32, #tpu.memory_space<vmem>>, vector<64x64xf32>
    %dot_general3A_12 = arith.constant dense<0.000000e+00> : vector<4000x64xf32>
    %dot_general3A_13 = tpu.matmul %get3A_8, %get3A_11, %dot_general3A_12 {dimension_numbers = #tpu.dot_dimension_numbers<[1], [0], [0], [1], [0, 0, 1, 1], [], []>, precision = #tpu.contract_precision<fp32>, transpose_lhs_hint = false} : vector<4000x64xf32>, vector<64x64xf32>, vector<4000x64xf32> -> vector<4000x64xf32>
    %add3A = arith.addf %dot_general3A_5, %dot_general3A_13 : vector<4000x64xf32>
    %get3A_14 = arith.constant 0 : index
    %get3A_15 = arith.constant 0 : index
    %get3A_16 = vector.load %arg5[%get3A_14, %get3A_15] : memref<1x64xf32, #tpu.memory_space<vmem>>, vector<1x64xf32>
    %add3A_17 = vector.broadcast %get3A_16 : vector<1x64xf32> to vector<4000x64xf32>
    %add3A_18 = arith.addf %add3A, %add3A_17 : vector<4000x64xf32>
    %swap3A = arith.constant 0 : index
    %swap3A_19 = arith.constant 0 : index
    %swap3A_20 = vector.load %arg6[%swap3A, %swap3A_19] : memref<4000x64xf32, #tpu.memory_space<vmem>>, vector<4000x64xf32>
    tpu.vector_store %arg6[%swap3A, %swap3A_19], %add3A_18 {strides = array<i32>} : memref<4000x64xf32, #tpu.memory_space<vmem>>, vector<4000x64xf32>,
    %eq3A = arith.constant 0 : i32
    %eq3A_21 = arith.cmpi eq, %arg0, %eq3A : i32
    %convert_element_type3A = arith.extui %eq3A_21 : i1 to i32
    %cond3A = arith.constant 0 : i32
    %cond3A_22 = arith.cmpi ne, %convert_element_type3A, %cond3A : i32
    scf.if %cond3A_22 {
      %broadcast_in_dim3A_46 = arith.constant 0.000000e+00 : f32
      %broadcast_in_dim3A_47 = vector.broadcast %broadcast_in_dim3A_46 : f32 to vector<8x64xf32>
      %swap3A_48 = arith.constant 0 : index
      %swap3A_49 = arith.constant 0 : index
      %swap3A_50 = vector.load %arg8[%swap3A_48, %swap3A_49] : memref<8x64xf32, #tpu.memory_space<vmem>>, vector<8x64xf32>
      tpu.vector_store %arg8[%swap3A_48, %swap3A_49], %broadcast_in_dim3A_47 {strides = array<i32>} : memref<8x64xf32, #tpu.memory_space<vmem>>, vector<8x64xf32>,
    } else {
    }
    %get3A_23 = arith.constant 0 : index
    %get3A_24 = arith.constant 0 : index
    %get3A_25 = vector.load %arg8[%get3A_23, %get3A_24] : memref<8x64xf32, #tpu.memory_space<vmem>>, vector<1x64xf32>
    %reduce_sum3A = arith.constant dense<0.000000e+00> : vector<64xf32>
    %reduce_sum3A_26 = vector.multi_reduction <add>, %add3A_18, %reduce_sum3A [0] : vector<4000x64xf32> to vector<64xf32>
    %broadcast_in_dim3A = vector.shape_cast %reduce_sum3A_26 : vector<64xf32> to vector<1x64xf32>
    %add3A_27 = arith.addf %get3A_25, %broadcast_in_dim3A : vector<1x64xf32>
    %swap3A_28 = arith.constant 0 : index
    %swap3A_29 = arith.constant 0 : index
    %swap3A_30 = vector.load %arg8[%swap3A_28, %swap3A_29] : memref<8x64xf32, #tpu.memory_space<vmem>>, vector<1x64xf32>
    tpu.vector_store %arg8[%swap3A_28, %swap3A_29], %add3A_27 {strides = array<i32>} : memref<8x64xf32, #tpu.memory_space<vmem>>, vector<1x64xf32>,
    %get3A_31 = arith.constant 1 : index
    %get3A_32 = arith.constant 0 : index
    %get3A_33 = vector.load %arg8[%get3A_31, %get3A_32] : memref<8x64xf32, #tpu.memory_space<vmem>>, vector<1x64xf32>
    %mul3A = arith.mulf %add3A_18, %add3A_18 : vector<4000x64xf32>
    %reduce_sum3A_34 = arith.constant dense<0.000000e+00> : vector<64xf32>
    %reduce_sum3A_35 = vector.multi_reduction <add>, %mul3A, %reduce_sum3A_34 [0] : vector<4000x64xf32> to vector<64xf32>
    %broadcast_in_dim3A_36 = vector.shape_cast %reduce_sum3A_35 : vector<64xf32> to vector<1x64xf32>
    %add3A_37 = arith.addf %get3A_33, %broadcast_in_dim3A_36 : vector<1x64xf32>
    %swap3A_38 = arith.constant 1 : index
    %swap3A_39 = arith.constant 0 : index
    %swap3A_40 = vector.load %arg8[%swap3A_38, %swap3A_39] : memref<8x64xf32, #tpu.memory_space<vmem>>, vector<1x64xf32>
    tpu.vector_store %arg8[%swap3A_38, %swap3A_39], %add3A_37 {strides = array<i32>} : memref<8x64xf32, #tpu.memory_space<vmem>>, vector<1x64xf32>,
    %eq3A_41 = arith.constant 24 : i32
    %eq3A_42 = arith.cmpi eq, %arg0, %eq3A_41 : i32
    %convert_element_type3A_43 = arith.extui %eq3A_42 : i1 to i32
    %cond3A_44 = arith.constant 0 : i32
    %cond3A_45 = arith.cmpi ne, %convert_element_type3A_43, %cond3A_44 : i32
    scf.if %cond3A_45 {
      %get3A_46 = arith.constant 0 : index
      %get3A_47 = arith.constant 0 : index
      %get3A_48 = vector.load %arg8[%get3A_46, %get3A_47] : memref<8x64xf32, #tpu.memory_space<vmem>>, vector<8x64xf32>
      %swap3A_49 = arith.constant 0 : index
      %swap3A_50 = arith.constant 0 : index
      %swap3A_51 = vector.load %arg7[%swap3A_49, %swap3A_50] : memref<8x64xf32, #tpu.memory_space<vmem>>, vector<8x64xf32>
      tpu.vector_store %arg7[%swap3A_49, %swap3A_50], %get3A_48 {strides = array<i32>} : memref<8x64xf32, #tpu.memory_space<vmem>>, vector<8x64xf32>,
    } else {
    }
    return
  }
  func.func @transform_0(%arg0: i32) -> (i32, i32) {
    %c0_i32 = arith.constant 0 : i32
    %c0_i32_0 = arith.constant 0 : i32
    return %arg0, %c0_i32 : i32, i32
  }
  func.func @transform_1(%arg0: i32) -> (i32, i32) {
    %c0_i32 = arith.constant 0 : i32
    %c0_i32_0 = arith.constant 0 : i32
    return %arg0, %c0_i32 : i32, i32
  }
  func.func @transform_2(%arg0: i32) -> (i32, i32) {
    %c0_i32 = arith.constant 0 : i32
    %c0_i32_0 = arith.constant 0 : i32
    %c0_i32_1 = arith.constant 0 : i32
    return %c0_i32, %c0_i32_0 : i32, i32
  }
  func.func @transform_3(%arg0: i32) -> (i32, i32) {
    %c0_i32 = arith.constant 0 : i32
    %c0_i32_0 = arith.constant 0 : i32
    %c0_i32_1 = arith.constant 0 : i32
    return %c0_i32, %c0_i32_0 : i32, i32
  }
  func.func @transform_4(%arg0: i32) -> (i32, i32) {
    %c0_i32 = arith.constant 0 : i32
    %c0_i32_0 = arith.constant 0 : i32
    %c0_i32_1 = arith.constant 0 : i32
    return %c0_i32, %c0_i32_0 : i32, i32
  }
  func.func @transform_5(%arg0: i32) -> (i32, i32) {
    %c0_i32 = arith.constant 0 : i32
    %c0_i32_0 = arith.constant 0 : i32
    return %arg0, %c0_i32 : i32, i32
  }
  func.func @transform_6(%arg0: i32) -> (i32, i32) {
    %c0_i32 = arith.constant 0 : i32
    %c0_i32_0 = arith.constant 0 : i32
    %c0_i32_1 = arith.constant 0 : i32
    return %c0_i32, %c0_i32_0 : i32, i32
  }
}

module attributes {stable_mosaic.version = 14 : i64} {
  func.func @kern(%arg0: i32, %arg1: memref<2000x64xf32, #tpu.memory_space<vmem>>, %arg2: memref<8x64xf32, #tpu.memory_space<vmem>>, %arg3: memref<1x64xf32, #tpu.memory_space<vmem>>, %arg4: memref<1x64xf32, #tpu.memory_space<vmem>>, %arg5: memref<64x64xf32, #tpu.memory_space<vmem>>, %arg6: memref<1x64xf32, #tpu.memory_space<vmem>>, %arg7: memref<1x1x2000xi32, #tpu.memory_space<vmem>>, %arg8: memref<64x64xf32, #tpu.memory_space<vmem>>, %arg9: memref<1x64xf32, #tpu.memory_space<vmem>>, %arg10: memref<64x1xf32, #tpu.memory_space<vmem>>, %arg11: memref<1x1xf32, #tpu.memory_space<vmem>>, %arg12: memref<1024x1xf32, #tpu.memory_space<vmem>>, %arg13: memref<1024x64xf32, #tpu.memory_space<vmem>>) attributes {dimension_semantics = [#tpu.dimension_semantics<arbitrary>], iteration_bounds = array<i64: 50>, scalar_prefetch = 0 : i64, scratch_operands = 1 : i64, tpu.core_type = #tpu.core_type<tc>, window_params = [{transform_indices = @transform_0, window_bounds = array<i64: 2000, 64>}, {pipeline_mode = #tpu.pipeline_mode<synchronous>, transform_indices = @transform_1, window_bounds = array<i64: 8, 64>}, {pipeline_mode = #tpu.pipeline_mode<synchronous>, transform_indices = @transform_2, window_bounds = array<i64: 1, 64>}, {pipeline_mode = #tpu.pipeline_mode<synchronous>, transform_indices = @transform_3, window_bounds = array<i64: 1, 64>}, {pipeline_mode = #tpu.pipeline_mode<synchronous>, transform_indices = @transform_4, window_bounds = array<i64: 64, 64>}, {pipeline_mode = #tpu.pipeline_mode<synchronous>, transform_indices = @transform_5, window_bounds = array<i64: 1, 64>}, {transform_indices = @transform_6, window_bounds = array<i64: 1, 1, 2000>}, {pipeline_mode = #tpu.pipeline_mode<synchronous>, transform_indices = @transform_7, window_bounds = array<i64: 64, 64>}, {pipeline_mode = #tpu.pipeline_mode<synchronous>, transform_indices = @transform_8, window_bounds = array<i64: 1, 64>}, {pipeline_mode = #tpu.pipeline_mode<synchronous>, transform_indices = @transform_9, window_bounds = array<i64: 64, 1>}, {pipeline_mode = #tpu.pipeline_mode<synchronous>, transform_indices = @transform_10, window_bounds = array<i64: 1, 1>}, {pipeline_mode = #tpu.pipeline_mode<synchronous>, transform_indices = @transform_11, window_bounds = array<i64: 1024, 1>}]} {
    %get3A = arith.constant 0 : index
    %get3A_0 = arith.constant 0 : index
    %get3A_1 = vector.load %arg2[%get3A, %get3A_0] : memref<8x64xf32, #tpu.memory_space<vmem>>, vector<1x64xf32>
    %mul3A = arith.constant 9.99999974E-6 : f32
    %mul3A_2 = vector.broadcast %mul3A : f32 to vector<1x64xf32>
    %mul3A_3 = arith.mulf %get3A_1, %mul3A_2 : vector<1x64xf32>
    %get3A_4 = arith.constant 1 : index
    %get3A_5 = arith.constant 0 : index
    %get3A_6 = vector.load %arg2[%get3A_4, %get3A_5] : memref<8x64xf32, #tpu.memory_space<vmem>>, vector<1x64xf32>
    %mul3A_7 = arith.constant 9.99999974E-6 : f32
    %mul3A_8 = vector.broadcast %mul3A_7 : f32 to vector<1x64xf32>
    %mul3A_9 = arith.mulf %get3A_6, %mul3A_8 : vector<1x64xf32>
    %mul3A_10 = arith.mulf %mul3A_3, %mul3A_3 : vector<1x64xf32>
    %sub3A = arith.subf %mul3A_9, %mul3A_10 : vector<1x64xf32>
    %add3A = arith.constant 9.99999974E-6 : f32
    %add3A_11 = vector.broadcast %add3A : f32 to vector<1x64xf32>
    %add3A_12 = arith.addf %sub3A, %add3A_11 : vector<1x64xf32>
    %rsqrt3A = math.rsqrt %add3A_12 : vector<1x64xf32>
    %get3A_13 = arith.constant 0 : index
    %get3A_14 = arith.constant 0 : index
    %get3A_15 = vector.load %arg3[%get3A_13, %get3A_14] : memref<1x64xf32, #tpu.memory_space<vmem>>, vector<1x64xf32>
    %mul3A_16 = arith.mulf %rsqrt3A, %get3A_15 : vector<1x64xf32>
    %get3A_17 = arith.constant 0 : index
    %get3A_18 = arith.constant 0 : index
    %get3A_19 = vector.load %arg1[%get3A_17, %get3A_18] : memref<2000x64xf32, #tpu.memory_space<vmem>>, vector<2000x64xf32>
    %sub3A_20 = vector.broadcast %mul3A_3 : vector<1x64xf32> to vector<2000x64xf32>
    %sub3A_21 = arith.subf %get3A_19, %sub3A_20 : vector<2000x64xf32>
    %mul3A_22 = vector.broadcast %mul3A_16 : vector<1x64xf32> to vector<2000x64xf32>
    %mul3A_23 = arith.mulf %sub3A_21, %mul3A_22 : vector<2000x64xf32>
    %get3A_24 = arith.constant 0 : index
    %get3A_25 = arith.constant 0 : index
    %get3A_26 = vector.load %arg4[%get3A_24, %get3A_25] : memref<1x64xf32, #tpu.memory_space<vmem>>, vector<1x64xf32>
    %add3A_27 = vector.broadcast %get3A_26 : vector<1x64xf32> to vector<2000x64xf32>
    %add3A_28 = arith.addf %mul3A_23, %add3A_27 : vector<2000x64xf32>
    %max3A = arith.constant 0.000000e+00 : f32
    %max3A_29 = vector.broadcast %max3A : f32 to vector<2000x64xf32>
    %max3A_30 = arith.maximumf %add3A_28, %max3A_29 : vector<2000x64xf32>
    %get3A_31 = arith.constant 0 : index
    %get3A_32 = arith.constant 0 : index
    %get3A_33 = vector.load %arg5[%get3A_31, %get3A_32] : memref<64x64xf32, #tpu.memory_space<vmem>>, vector<64x64xf32>
    %dot_general3A = arith.constant dense<0.000000e+00> : vector<2000x64xf32>
    %dot_general3A_34 = tpu.matmul %max3A_30, %get3A_33, %dot_general3A {dimension_numbers = #tpu.dot_dimension_numbers<[1], [0], [0], [1], [0, 0, 1, 1], [], []>, precision = #tpu.contract_precision<fp32>, transpose_lhs_hint = false} : vector<2000x64xf32>, vector<64x64xf32>, vector<2000x64xf32> -> vector<2000x64xf32>
    %get3A_35 = arith.constant 0 : index
    %get3A_36 = arith.constant 0 : index
    %get3A_37 = vector.load %arg6[%get3A_35, %get3A_36] : memref<1x64xf32, #tpu.memory_space<vmem>>, vector<1x64xf32>
    %add3A_38 = vector.broadcast %get3A_37 : vector<1x64xf32> to vector<2000x64xf32>
    %add3A_39 = arith.addf %dot_general3A_34, %add3A_38 : vector<2000x64xf32>
    %max3A_40 = arith.constant 0.000000e+00 : f32
    %max3A_41 = vector.broadcast %max3A_40 : f32 to vector<2000x64xf32>
    %max3A_42 = arith.maximumf %add3A_39, %max3A_41 : vector<2000x64xf32>
    %get3A_43 = arith.constant 0 : index
    %get3A_44 = arith.constant 0 : index
    %get3A_45 = arith.constant 0 : index
    %get3A_46 = vector.load %arg7[%get3A_43, %get3A_44, %get3A_45] : memref<1x1x2000xi32, #tpu.memory_space<vmem>>, vector<1x1x2000xi32>
    %get3A_47 = vector.shape_cast %get3A_46 : vector<1x1x2000xi32> to vector<2000xi32>
    %broadcast_in_dim3A = vector.shape_cast %get3A_47 : vector<2000xi32> to vector<2000x1xi32>
    %iota3A = tpu.iota {dimensions = array<i32: 1>} : vector<2000x1024xi32>
    %eq3A = vector.broadcast %broadcast_in_dim3A : vector<2000x1xi32> to vector<2000x1024xi32>
    %eq3A_48 = arith.cmpi eq, %eq3A, %iota3A : vector<2000x1024xi32>
    %convert_element_type3A = arith.extui %eq3A_48 : vector<2000x1024xi1> to vector<2000x1024xi32>
    %convert_element_type3A_49 = arith.sitofp %convert_element_type3A : vector<2000x1024xi32> to vector<2000x1024xf32>
    %dot_general3A_50 = arith.constant dense<0.000000e+00> : vector<1024x64xf32>
    %dot_general3A_51 = tpu.matmul %convert_element_type3A_49, %max3A_42, %dot_general3A_50 {dimension_numbers = #tpu.dot_dimension_numbers<[0], [0], [1], [1], [0, 1, 1, 1], [], []>, precision = #tpu.contract_precision<fp32>, transpose_lhs_hint = false} : vector<2000x1024xf32>, vector<2000x64xf32>, vector<1024x64xf32> -> vector<1024x64xf32>
    %eq3A_52 = arith.constant 0 : i32
    %eq3A_53 = arith.cmpi eq, %arg0, %eq3A_52 : i32
    %convert_element_type3A_54 = arith.extui %eq3A_53 : i1 to i32
    %cond3A = arith.constant 0 : i32
    %cond3A_55 = arith.cmpi ne, %convert_element_type3A_54, %cond3A : i32
    scf.if %cond3A_55 {
      %broadcast_in_dim3A_67 = arith.constant 0.000000e+00 : f32
      %broadcast_in_dim3A_68 = vector.broadcast %broadcast_in_dim3A_67 : f32 to vector<1024x64xf32>
      %swap3A_69 = arith.constant 0 : index
      %swap3A_70 = arith.constant 0 : index
      %swap3A_71 = vector.load %arg13[%swap3A_69, %swap3A_70] : memref<1024x64xf32, #tpu.memory_space<vmem>>, vector<1024x64xf32>
      tpu.vector_store %arg13[%swap3A_69, %swap3A_70], %broadcast_in_dim3A_68 {strides = array<i32>} : memref<1024x64xf32, #tpu.memory_space<vmem>>, vector<1024x64xf32>,
    } else {
    }
    %get3A_56 = arith.constant 0 : index
    %get3A_57 = arith.constant 0 : index
    %get3A_58 = vector.load %arg13[%get3A_56, %get3A_57] : memref<1024x64xf32, #tpu.memory_space<vmem>>, vector<1024x64xf32>
    %add3A_59 = arith.addf %get3A_58, %dot_general3A_51 : vector<1024x64xf32>
    %swap3A = arith.constant 0 : index
    %swap3A_60 = arith.constant 0 : index
    %swap3A_61 = vector.load %arg13[%swap3A, %swap3A_60] : memref<1024x64xf32, #tpu.memory_space<vmem>>, vector<1024x64xf32>
    tpu.vector_store %arg13[%swap3A, %swap3A_60], %add3A_59 {strides = array<i32>} : memref<1024x64xf32, #tpu.memory_space<vmem>>, vector<1024x64xf32>,
    %eq3A_62 = arith.constant 49 : i32
    %eq3A_63 = arith.cmpi eq, %arg0, %eq3A_62 : i32
    %convert_element_type3A_64 = arith.extui %eq3A_63 : i1 to i32
    %cond3A_65 = arith.constant 0 : i32
    %cond3A_66 = arith.cmpi ne, %convert_element_type3A_64, %cond3A_65 : i32
    scf.if %cond3A_66 {
      %get3A_67 = arith.constant 0 : index
      %get3A_68 = arith.constant 0 : index
      %get3A_69 = vector.load %arg13[%get3A_67, %get3A_68] : memref<1024x64xf32, #tpu.memory_space<vmem>>, vector<1024x64xf32>
      %get3A_70 = arith.constant 0 : index
      %get3A_71 = arith.constant 0 : index
      %get3A_72 = vector.load %arg8[%get3A_70, %get3A_71] : memref<64x64xf32, #tpu.memory_space<vmem>>, vector<64x64xf32>
      %dot_general3A_73 = arith.constant dense<0.000000e+00> : vector<1024x64xf32>
      %dot_general3A_74 = tpu.matmul %get3A_69, %get3A_72, %dot_general3A_73 {dimension_numbers = #tpu.dot_dimension_numbers<[1], [0], [0], [1], [0, 0, 1, 1], [], []>, precision = #tpu.contract_precision<fp32>, transpose_lhs_hint = false} : vector<1024x64xf32>, vector<64x64xf32>, vector<1024x64xf32> -> vector<1024x64xf32>
      %get3A_75 = arith.constant 0 : index
      %get3A_76 = arith.constant 0 : index
      %get3A_77 = vector.load %arg9[%get3A_75, %get3A_76] : memref<1x64xf32, #tpu.memory_space<vmem>>, vector<1x64xf32>
      %add3A_78 = vector.broadcast %get3A_77 : vector<1x64xf32> to vector<1024x64xf32>
      %add3A_79 = arith.addf %dot_general3A_74, %add3A_78 : vector<1024x64xf32>
      %max3A_80 = arith.constant 0.000000e+00 : f32
      %max3A_81 = vector.broadcast %max3A_80 : f32 to vector<1024x64xf32>
      %max3A_82 = arith.maximumf %add3A_79, %max3A_81 : vector<1024x64xf32>
      %get3A_83 = arith.constant 0 : index
      %get3A_84 = arith.constant 0 : index
      %get3A_85 = vector.load %arg10[%get3A_83, %get3A_84] : memref<64x1xf32, #tpu.memory_space<vmem>>, vector<64x1xf32>
      %dot_general3A_86 = arith.constant dense<0.000000e+00> : vector<1024x1xf32>
      %dot_general3A_87 = tpu.matmul %max3A_82, %get3A_85, %dot_general3A_86 {dimension_numbers = #tpu.dot_dimension_numbers<[1], [0], [0], [1], [0, 0, 1, 1], [], []>, precision = #tpu.contract_precision<fp32>, transpose_lhs_hint = false} : vector<1024x64xf32>, vector<64x1xf32>, vector<1024x1xf32> -> vector<1024x1xf32>
      %get3A_88 = arith.constant 0 : index
      %get3A_89 = arith.constant 0 : index
      %get3A_90 = vector.load %arg11[%get3A_88, %get3A_89] : memref<1x1xf32, #tpu.memory_space<vmem>>, vector<1x1xf32>
      %add3A_91 = vector.broadcast %get3A_90 : vector<1x1xf32> to vector<1024x1xf32>
      %add3A_92 = arith.addf %dot_general3A_87, %add3A_91 : vector<1024x1xf32>
      %swap3A_93 = arith.constant 0 : index
      %swap3A_94 = arith.constant 0 : index
      %swap3A_95 = vector.load %arg12[%swap3A_93, %swap3A_94] : memref<1024x1xf32, #tpu.memory_space<vmem>>, vector<1024x1xf32>
      tpu.vector_store %arg12[%swap3A_93, %swap3A_94], %add3A_92 {strides = array<i32>} : memref<1024x1xf32, #tpu.memory_space<vmem>>, vector<1024x1xf32>,
    } else {
    }
    return
  }
  func.func @transform_0(%arg0: i32) -> (i32, i32) {
    %c0_i32 = arith.constant 0 : i32
    %c0_i32_0 = arith.constant 0 : i32
    return %arg0, %c0_i32 : i32, i32
  }
  func.func @transform_1(%arg0: i32) -> (i32, i32) {
    %c0_i32 = arith.constant 0 : i32
    %c0_i32_0 = arith.constant 0 : i32
    %c0_i32_1 = arith.constant 0 : i32
    return %c0_i32, %c0_i32_0 : i32, i32
  }
  func.func @transform_2(%arg0: i32) -> (i32, i32) {
    %c0_i32 = arith.constant 0 : i32
    %c0_i32_0 = arith.constant 0 : i32
    %c0_i32_1 = arith.constant 0 : i32
    return %c0_i32, %c0_i32_0 : i32, i32
  }
  func.func @transform_3(%arg0: i32) -> (i32, i32) {
    %c0_i32 = arith.constant 0 : i32
    %c0_i32_0 = arith.constant 0 : i32
    %c0_i32_1 = arith.constant 0 : i32
    return %c0_i32, %c0_i32_0 : i32, i32
  }
  func.func @transform_4(%arg0: i32) -> (i32, i32) {
    %c0_i32 = arith.constant 0 : i32
    %c0_i32_0 = arith.constant 0 : i32
    %c0_i32_1 = arith.constant 0 : i32
    return %c0_i32, %c0_i32_0 : i32, i32
  }
  func.func @transform_5(%arg0: i32) -> (i32, i32) {
    %c0_i32 = arith.constant 0 : i32
    %c0_i32_0 = arith.constant 0 : i32
    %c0_i32_1 = arith.constant 0 : i32
    return %c0_i32, %c0_i32_0 : i32, i32
  }
  func.func @transform_6(%arg0: i32) -> (i32, i32, i32) {
    %c0_i32 = arith.constant 0 : i32
    %c0_i32_0 = arith.constant 0 : i32
    %c0_i32_1 = arith.constant 0 : i32
    return %arg0, %c0_i32, %c0_i32_0 : i32, i32, i32
  }
  func.func @transform_7(%arg0: i32) -> (i32, i32) {
    %c0_i32 = arith.constant 0 : i32
    %c0_i32_0 = arith.constant 0 : i32
    %c0_i32_1 = arith.constant 0 : i32
    return %c0_i32, %c0_i32_0 : i32, i32
  }
  func.func @transform_8(%arg0: i32) -> (i32, i32) {
    %c0_i32 = arith.constant 0 : i32
    %c0_i32_0 = arith.constant 0 : i32
    %c0_i32_1 = arith.constant 0 : i32
    return %c0_i32, %c0_i32_0 : i32, i32
  }
  func.func @transform_9(%arg0: i32) -> (i32, i32) {
    %c0_i32 = arith.constant 0 : i32
    %c0_i32_0 = arith.constant 0 : i32
    %c0_i32_1 = arith.constant 0 : i32
    return %c0_i32, %c0_i32_0 : i32, i32
  }
  func.func @transform_10(%arg0: i32) -> (i32, i32) {
    %c0_i32 = arith.constant 0 : i32
    %c0_i32_0 = arith.constant 0 : i32
    %c0_i32_1 = arith.constant 0 : i32
    return %c0_i32, %c0_i32_0 : i32, i32
  }
  func.func @transform_11(%arg0: i32) -> (i32, i32) {
    %c0_i32 = arith.constant 0 : i32
    %c0_i32_0 = arith.constant 0 : i32
    %c0_i32_1 = arith.constant 0 : i32
    return %c0_i32, %c0_i32_0 : i32, i32
  }
}

</mosaic_0001>

<sc_bundles>
// kernel: kernel.11.cloned.1.call-start
scs
__scs_entry_jumppad:
0x0: {  	(pc) =	sbr.rel $0x88, $3  }
0x1: {  	(tag) =	ssettag $0x0;
	lr =	simm.s32 $0x1  }
0x2: {  	[smem:$0x3F88] =	sst lr;
	_ =	strace $0xD0000000  }
0x3: {  	_ = 	snop  }
0x4: {  	_ = 	snop  }
0x5: {  	_ = 	snop  }
0x6: {  	_ = 	snop  }
0x7: {  	_ = 	snop  }
__scs_overlays_trampoline_lowered:
0x8: {  	[smem:$0x3F97] =	sst s0  }
0x9: {  	[smem:$0x3F98] =	sst s1  }
0xa: {  	[smem:$0x3F99] =	sst s2  }
0xb: {  	[smem:$0x3F9A] =	sst s3  }
0xc: {  	[smem:$0x3F9B] =	sst s4  }
0xd: {  	[smem:$0x3F9C] =	sst s5  }
0xe: {  	[smem:$0x3F9D] =	sst s6  }
0xf: {  	[smem:$0x3F9E] =	sst s7  }
0x10: {  	[smem:$0x3F9F] =	sst s8  }
0x11: {  	[smem:$0x3FA0] =	sst s9;
	s0 =	simm.s32 @!p0 $0x0  }
0x12: {  	s1 =	sld [smem:$0x3F86];
	s0 =	simm.s32 @p0 $0x1  }
0x13: {  	[smem:$0x3FA1] =	sst s0;
	s0 =	simm.s32 @!p1 $0x0  }
0x14: {  	s2 =	sld [smem:$0x3F85];
	s0 =	simm.s32 @p1 $0x1  }
0x15: {  	[smem:$0x3FA2] =	sst s0;
	s0 =	simm.s32 @!p2 $0x0  }
0x16: {  	s3 =	sld [smem:$0x3FDB];
	s0 =	simm.s32 @p2 $0x1  }
0x17: {  	s4 =	simm.s32 $0x1BF5;
	[smem:$0x3FA4] =	sst s0  }
0x18: {  	s0 =	sld [smem:$0x3F87];
	_ =	swait.ge [sflag:s4], $0x0  }
0x19: {  	s7 =	sld [smem:$0x3F88]  }
0x1a: {  	s8 =	sadd.s32 $0xFFFFE003, lr  }
0x1b: {  	s9 =	sadd.s32 $0xFFFFFEF7, lr;
	s5 =	simm.s32 $0xFFFFFFFF;
	p2 =	slt.u32 s8, $0xFFFFF086  }
0x1c: {  	p1 =	slt.u32 s9, $0xF7A;
	s5 =	simm.s32 @!p2 $0x0  }
0x1d: {  	s5 =	simm.s32 @p1 $0x1;
	p0 =	seq.s32 s7, s2  }
0x1e: {  	s7 =	smul.u32 @!p0 $0xF7A, s2;
	p2 =	seq.s32 @!p0 s5, $0x0  }
0x1f: {  	s9 =	smul.u32 $0xF7A, s1;
	s8 =	simm.s32 @!p0 $0x1BF5;
	p2 =	por !p2, p0  }
0x20: {  	[sflag:s8] =	ssyncset.s32 @!p0 $0xFFFFF086;
	s6 =	sadd.s32 @!p0 s3, s7;
	s7 =	simm.s32 @!p0 $0x108  }
0x21: {  	s3 =	sadd.s32 s3, s9;
	s6 =	sadd.s32 @!p0 $0x88, s6;
	s7 =	simm.s32 @p2 $0x1082  }
0x22: {  	[simem:s7], [sflag:s8] =	dma.local @!p0 [hbm:s6], $0xF7A  }
0x23: {  	s9 =	sor.u32 $0xD0000000, s2;
	s6 =	simm.s32 $0x108;
	_ =	swait.ge @!p0 [sflag:s8], $0x0  }
0x24: {  	s3 =	sadd.s32 $0x88, s3;
	s6 =	simm.s32 @!p1 $0x1082;
	[sflag:s4] =	ssyncset.s32 $0xFFFFF086  }
0x25: {  	[simem:s6], [sflag:s4] =	dma.local [hbm:s3], $0xF7A  }
0x26: {  	[smem:$0x3F88] =	sst s1;
	(tag) =	ssettag s2;
	_ =	strace s9  }
0x27: {  	s1 =	sld [smem:$0x3F98]  }
0x28: {  	s2 =	sld [smem:$0x3F99]  }
0x29: {  	s4 =	sld [smem:$0x3F9B]  }
0x2a: {  	p0 =	seq.s32 s5, $0x0;
	s5 =	sld [smem:$0x3F9C]  }
0x2b: {  	s6 =	sld [smem:$0x3F9D]  }
0x2c: {  	s7 =	sld [smem:$0x3F9E]  }
0x2d: {  	s3 =	simm.s32 $0x108;
	s8 =	sld [smem:$0x3F9F]  }
0x2e: {  	s3 =	simm.s32 @!p0 $0x1082;
	s9 =	sld [smem:$0x3FA0]  }
0x2f: {  	lr =	sadd.s32 s0, s3;
	s0 =	sld [smem:$0x3F97]  }
0x30: {  	s3 =	sld [smem:$0x3F9A]  }
0x31: {  	[smem:$0x3FA3] =	sst s10  }
0x32: {  	s10 =	sld [smem:$0x3FA1];
	_ =	sdelay $0x3  }
0x33: {  	p0 =	seq.s32 s10, $0x1;
	s10 =	sld [smem:$0x3FA3];
	_ =	sdelay $0x3  }
0x34: {  	[smem:$0x3FA3] =	sst s10  }
0x35: {  	s10 =	sld [smem:$0x3FA2];
	_ =	sdelay $0x3  }
0x36: {  	p1 =	seq.s32 s10, $0x1;
	s10 =	sld [smem:$0x3FA3];
	_ =	sdelay $0x3  }
0x37: {  	[smem:$0x3FA3] =	sst s10  }
0x38: {  	s10 =	sld [smem:$0x3FA4]  }
0x39: {  	_ = 	snop;
	(pc) =	sbr.ind lr, $3  }
0x3a: {  	_ = 	snop  }
0x3b: {  	_ = 	snop  }
0x3c: {  	p2 =	seq.s32 s10, $0x1;
	s10 =	sld [smem:$0x3FA3]  }
0x3d: {  	_ =	shalt  }
0x3e: {  	_ =	shalt  }
0x3f: {  	_ =	shalt  }
0x40: {  	_ =	shalt  }
0x41: {  	_ =	shalt  }
0x42: {  	_ =	shalt  }
0x43: {  	_ =	shalt  }
0x44: {  	_ =	shalt  }
0x45: {  	_ =	shalt  }
0x46: {  	_ =	shalt  }
0x47: {  	_ =	shalt  }
0x48: {  	_ =	shalt  }
0x49: {  	_ =	shalt  }
0x4a: {  	_ =	shalt  }
0x4b: {  	_ =	shalt  }
0x4c: {  	_ =	shalt  }
0x4d: {  	_ =	shalt  }
0x4e: {  	_ =	shalt  }
0x4f: {  	_ =	shalt  }
0x50: {  	_ =	shalt  }
0x51: {  	_ =	shalt  }
0x52: {  	_ =	shalt  }
0x53: {  	_ =	shalt  }
0x54: {  	_ =	shalt  }
0x55: {  	_ =	shalt  }
0x56: {  	_ =	shalt  }
0x57: {  	_ =	shalt  }
0x58: {  	_ =	shalt  }
0x59: {  	_ =	shalt  }
0x5a: {  	_ =	shalt  }
0x5b: {  	_ =	shalt  }
0x5c: {  	_ =	shalt  }
0x5d: {  	_ =	shalt  }
0x5e: {  	_ =	shalt  }
0x5f: {  	_ =	shalt  }
0x60: {  	_ =	shalt  }
0x61: {  	_ =	shalt  }
0x62: {  	_ =	shalt  }
0x63: {  	_ =	shalt  }
0x64: {  	_ =	shalt  }
0x65: {  	_ =	shalt  }
0x66: {  	_ =	shalt  }
0x67: {  	_ =	shalt  }
0x68: {  	_ =	shalt  }
0x69: {  	_ =	shalt  }
0x6a: {  	_ =	shalt  }
0x6b: {  	_ =	shalt  }
0x6c: {  	_ =	shalt  }
0x6d: {  	_ =	shalt  }
0x6e: {  	_ =	shalt  }
0x6f: {  	_ =	shalt  }
0x70: {  	_ =	shalt  }
0x71: {  	_ =	shalt  }
0x72: {  	_ =	shalt  }
0x73: {  	_ =	shalt  }
0x74: {  	_ =	shalt  }
0x75: {  	_ =	shalt  }
0x76: {  	_ =	shalt  }
0x77: {  	_ =	shalt  }
0x78: {  	_ =	shalt  }
0x79: {  	_ =	shalt  }
0x7a: {  	_ =	shalt  }
0x7b: {  	_ =	shalt  }
0x7c: {  	_ =	shalt  }
0x7d: {  	_ =	shalt  }
0x7e: {  	_ =	shalt  }
0x7f: {  	_ =	shalt  }
0x80: {  	_ =	shalt  }
0x81: {  	_ =	shalt  }
0x82: {  	_ =	shalt  }
0x83: {  	_ =	shalt  }
0x84: {  	_ =	shalt  }
0x85: {  	_ =	shalt  }
0x86: {  	_ =	shalt  }
0x87: {  	_ =	shalt  }
.Lfunc_end0:
.L_simem_size_0:
called_computation_lowered:
.L_overlay_start_0:
0x88: {  	s2 =	sld [smem:$0x3FD9]  }
0x89: {  	s3 =	sld [smem:$0x3FFE];
	_ =	sdelay $0x1  }
0x8a: {  	s1 =	srdreg.scid  }
0x8b: {  	s0 =	sand.u32 $0x1, s1  }
0x8c: {  	s16 =	sshll.u32 s0, $0xA;
	s2 =	sadd.s32 s3, s2  }
0x8d: {  	s2 =	sadd.s32 s2, s16  }
0x8e: {  	[smem:$0x3FAF] =	sst s2  }
0x8f: {  	_ = 	snop  }
0x90: {  	(tm) =	ssettm $0x1  }
0x91: {  	s17 =	sld [smem:$0x3FFB];
	_ =	sdelay $0x3  }
0x92: {  	_ =	strace s17  }
0x93: {  	s2 =	sld [smem:$0x3FFC];
	_ =	sdelay $0x3  }
0x94: {  	_ =	strace s2  }
0x95: {  	s2 =	sld [smem:$0x3FFD];
	_ =	sdelay $0x3  }
0x96: {  	_ =	strace s2  }
0x97: {  	_ =	strace $0x8FFFFFFF  }
0x98: {  	s18 =	sld [smem:$0x3FDB];
	_ =	sdelay $0x1  }
0x99: {  	s19 =	simm.s32 $_scs_section_size  }
0x9a: {  	s4 =	simm.s32 $_size__tile_overlayer_lowered;
	s5 =	simm.s32 $_tile_overlayer_lowered  }
0x9b: {  	s22 =	simm.s32 $0x1BFF;
	s21 =	sshll.u32 s5, $0x1;
	s2 =	sadd.s32 s19, s18  }
0x9c: {  	s6 =	simm.s32 $0x0;
	s20 =	sshll.u32 s4, $0x1;
	s4 =	sadd.s32 s21, s2  }
0x9d: {  	[timem:s6], [sflag:s22] =	dma.local [hbm:s4], s20  }
0x9e: {  	_ =	swait.ge [sflag:s22], s20  }
0x9f: {  	s3 =	ssub.s32 $0x0, s20;
	[sflag:s22] =	ssyncset.done $0x0  }
0xa0: {  	[sflag:s22] =	ssyncadd.s32 s3;
	_ =	sdelay $0x1  }
0xa1: {  	s23 =	simm.s32 $0x1B8B  }
0xa2: {  	_ =	swait.ge [sflag:s23], $0x1  }
0xa3: {  	[sflag:s23] =	ssyncset.done $0x0  }
0xa4: {  	s25 =	simm.s32 $0x1B8E;
	s24 =	sld [smem:$0x3FFE];
	[sflag:s23] =	ssyncadd.s32 $0xFFFFFFFF  }
0xa5: {  	s26 =	simm.s32 $execute0_lowered;
	[smem:$0x3FD2] =	sst s25  }
0xa6: {  	s4 =	sshll.u32 s26, $0x1;
	_ =	strace $0x80000046;
	[dreg:$0x1] =	wrdreg $0xFFFFFFFF  }
0xa7: {  	s28 =	simm.s32 $_size_execute0_lowered;
	s2 =	sadd.s32 s2, s4;
	[dreg:$0x0] =	wrdreg $0x0  }
0xa8: {  	s4 =	sshll.u32 s28, $0x1;
	[dreg:$0x2] =	wrdreg s2  }
0xa9: {  	[dreg:$0x3] =	wrdreg s4  }
0xaa: {  	[dreg:$0x4] =	wrdreg $0xC0  }
0xab: {  	_ =	task [dreg:s6], $0x5FFFF  }
0xac: {  	[dreg:$0x1] =	wrdreg $0xFFFFFFFF  }
0xad: {  	[dreg:$0x0] =	wrdreg $0x60  }
0xae: {  	[dreg:$0x2] =	wrdreg s24  }
0xaf: {  	[dreg:$0x3] =	wrdreg $0x70800  }
0xb0: {  	[dreg:$0x4] =	wrdreg $0x9  }
0xb1: {  	_ =	task.clear_ibuf [dreg:s6], $0x5FFFF;
	_ =	strace $0x90000046  }
0xb2: {  	s29 =	simm.s32 $0x9;
	_ =	strace $0x80000048  }
0xb3: {  	_ =	swait.ge [sflag:s29], $0x1  }
0xb4: {  	[sflag:s29] =	ssyncadd.s32 $0xFFFFFFFF  }
0xb5: {  	_ =	strace $0x90000048  }
0xb6: {  	_ =	sfence  }
0xb7: {  	s30 =	sld [smem:$0x0];
	_ =	sdelay $0x2  }
0xb8: {  	s31 =	sshll.u32 s1, $0xD;
	s1 =	sshrl.u32 s1, $0x2  }
0xb9: {  	s3 =	sand.u32 $0x4000, s31;
	s1 =	sadd.s32 s1, s30  }
0xba: {  	s0 =	sor.u32 s3, s0;
	s1 =	sshll.u32 s1, $0x11  }
0xbb: {  	s0 =	sor.u32 s1, s0  }
0xbc: {  	s0 =	sadd.s32 $0x8F2B, s0  }
0xbd: {  	[sflag:s0] =	ssyncadd.remote.s32 $0x1  }
0xbe: {  	_ =	sfence.sel $0xFFFF  }
0xbf: {  	[dreg:$0x0] =	wrdreg $0xFFFFFFFF;
	(pc) =	sbr.abs _section_cstart, $3  }
0xc0: {  	[dreg:$0x1] =	wrdreg $0xFFFFFFFF  }
0xc1: {  	_ =	task.clear_ibuf [dreg:s6], $0x2FFFF;
	_ =	strace $0x9FFFFFFF  }
0xc2: {  	(tm) =	ssettm $0x7FFFFFFF  }
0xc3: {  	_ =	shalt  }
tec
execute0_lowered:
.L_overlay_start_1:
0x0: {  	(tag) =	ssettag $0x1  }
0x1: {  	s5 =	rddreg [dreg:$0x0];
	s0 =	srdreg.scid  }
0x2: {  	s2 =	rddreg [dreg:$0x1];
	s1 =	stileid.u32  }
0x3: {  	s3 =	simm.s32 $0x0;
	s13 =	simm.s32 $0x640;
	s14 =	simm.s32 $0xC80  }
0x4: {  	s15 =	simm.s32 $0x1;
	s16 =	simm.s32 $0x4;
	s17 =	simm.s32 $0x0  }
0x5: {  	s6 =	sand.u32 $0x1, s0;
	s0 =	rddreg [dreg:$0x2];
	s7 =	smul.u32 $0x30D40, s1  }
0x6: {  	[smem:$0x7FF] =	sst s3;
	s8 =	smul.u32 $0x1870, s1;
	s31 =	sshll.u32 s1, $0x6  }
0x7: {  	s4 =	smul.u32 $0x30D400, s6;
	s26 =	sshll.u32 s6, $0x4;
	s6 =	ssub.s32 $0x2, s6  }
0x8: {  	_ =	strace $0x80000047;
	s8 =	smin.u32 s8, $0x16E30;
	s29 =	sshrl.u32 s6, $0x1  }
0x9: {  	s7 =	sadd.s32 s7, s4;
	s4 =	sadd.s32 $0x18AE00, s5;
	s9 =	sshll.u32 s8, $0x5  }
0xa: {  	s11 =	sshll.u32 s8, $0x1;
	s30 =	sshll.u32 s8, $0x4;
	s7 =	sshrl.u32 s7, $0x3  }
0xb: {  	s28 =	sadd.s32 s11, s5;
	s11 =	ssub.s32 s6, s29;
	s12 =	sadd.s32 s30, s2  }
0xc: {  	s6 =	sor.u32 $0x1C02, s31;
	s10 =	sadd.s32 s7, s5;
	s7 =	sor.u32 s26, s9  }
0xd: {  	s8 =	smax.u32 s11, $0x1;
	s11 =	sshrl.u32 s12, $0x3;
	s7 =	sshrl.u32 s7, $0x3  }
0xe: {  	s9 =	sadd.s32 $0x4200, s10;
	s10 =	sadd.s32 $0xC7800, s10;
	s7 =	sadd.s32 s7, s5  }
0xf: {  	s12 =	simm.s32 $0x2;
	s5 =	sadd.s32 $0x1BBC00, s28;
	s7 =	sadd.s32 $0x1ECA00, s7  }
.LBB2_1:
0x10: {  	[spmem:s11], [sflag:s6] =	dma.local [hbm:s5], $0x30E0  }
0x11: {  	_ =	swait.ge [sflag:s12], $0x30E0  }
0x12: {  	[sflag:s12] =	ssyncset.done $0x0  }
0x13: {  	[sflag:s12] =	ssyncadd.s32 $0xFFFFCF20  }
0x14: {  	s18 =	sadd.s32 $0x0, s10;
	[bflag:$0x0] =	sbarrier.arrive $0xFFFF  }
0x15: {  	[tilespmem:s3], [sflag:$0x2] =	stream.linear.gather [hbm4b:s18+s3], $0x640, $0x38;
	[tilespmem:$0x1F720] =	vst v63  }
0x16: {  	_ =	swait.ge [sflag:s12], $0x640  }
0x17: {  	[sflag:s12] =	ssyncset.done $0x0  }
0x18: {  	s31 =	sadd.s32 $0x0, s9;
	[sflag:s12] =	ssyncadd.s32 $0xFFFFF9C0  }
0x19: {  	[tilespmem:s13], [sflag:$0x2] =	stream.linear.gather [hbm4b:s31+s3], $0x640, $0x38;
	[tilespmem:$0x1F720] =	vst v63  }
0x1a: {  	_ =	swait.ge [sflag:s12], $0x640  }
0x1b: {  	[sflag:s12] =	ssyncset.done $0x0  }
0x1c: {  	[sflag:s12] =	ssyncadd.s32 $0xFFFFF9C0  }
0x1d: {  	[tilespmem:s14], [sflag:$0x1] =	stream.indirect.gather [hbm4b:s4+s13], $0x10, s3, s13, $0xb8;
	[tilespmem:$0x1F720] =	vst v63  }
0x1e: {  	_ =	swait.ge [sflag:s15], $0x6400  }
0x1f: {  	[sflag:s15] =	ssyncset.done $0x0  }
0x20: {  	[sflag:s15] =	ssyncadd.s32 $0xFFFF9C00  }
0x21: {  	[spmem:s2] =	stream.indirect.scatter.add.f32 [tilespmem:s14], [sflag:$0x2], $0x10, s13, s13, $0xb8;
	[tilespmem:$0x1F720] =	vst v63  }
0x22: {  	_ =	swait.ge [sflag:s12], $0x6400  }
0x23: {  	s19 =	simm.s32 $0x190;
	s18 =	simm.s32 $0xC8;
	[sflag:s12] =	ssyncset.done $0x0  }
.LBB2_2:
0x24: {  	s20 =	sadd.s32 s18, s10  }
0x25: {  	[sflag:s12] =	ssyncadd.s32 $0xFFFF9C00;
	s21 =	smov.u32 s19;
	s22 =	sadd.s32 $0xC8, s19  }
0x26: {  	[tilespmem:s3], [sflag:$0x2] =	stream.linear.gather [hbm4b:s20+s3], $0x640, $0x38;
	[tilespmem:$0x1F720] =	vst v63  }
0x27: {  	p0 =	sne.s32 s19, $0x60E0;
	_ =	swait.ge [sflag:s12], $0x640  }
0x28: {  	[sflag:s12] =	ssyncset.done $0x0  }
0x29: {  	s19 =	sadd.s32 s18, s9;
	s18 =	smov.u32 s21;
	[sflag:s12] =	ssyncadd.s32 $0xFFFFF9C0  }
0x2a: {  	[tilespmem:s13], [sflag:$0x2] =	stream.linear.gather [hbm4b:s19+s3], $0x640, $0x38;
	[tilespmem:$0x1F720] =	vst v63  }
0x2b: {  	_ =	swait.ge [sflag:s12], $0x640  }
0x2c: {  	[sflag:s12] =	ssyncset.done $0x0  }
0x2d: {  	[sflag:s12] =	ssyncadd.s32 $0xFFFFF9C0  }
0x2e: {  	[tilespmem:s14], [sflag:$0x1] =	stream.indirect.gather [hbm4b:s4+s13], $0x10, s3, s13, $0xb8;
	[tilespmem:$0x1F720] =	vst v63  }
0x2f: {  	_ =	swait.ge [sflag:s15], $0x6400  }
.Ltmp0:
0x30: {  	[sflag:s15] =	ssyncset.done $0x0;
	(pc) =	sbr.rel @p0 .LBB2_2-.Ltmp0, $4  }
0x31: {  	[sflag:s15] =	ssyncadd.s32 $0xFFFF9C00  }
0x32: {  	[spmem:s2] =	stream.indirect.scatter.add.f32 [tilespmem:s14], [sflag:$0x2], $0x10, s13, s13, $0xb8;
	[tilespmem:$0x1F720] =	vst v63  }
0x33: {  	_ =	swait.ge [sflag:s12], $0x6400  }
0x34: {  	s19 =	smov.u32 s22;
	[sflag:s12] =	ssyncset.done $0x0  }
0x35: {  	s19 =	sadd.s32 s18, s10;
	[sflag:s12] =	ssyncadd.s32 $0xFFFF9C00  }
0x36: {  	[tilespmem:s3], [sflag:$0x2] =	stream.linear.gather [hbm4b:s19+s3], $0x640, $0x38;
	[tilespmem:$0x1F720] =	vst v63  }
0x37: {  	_ =	swait.ge [sflag:s12], $0x640  }
0x38: {  	[sflag:s12] =	ssyncset.done $0x0  }
0x39: {  	s31 =	sadd.s32 s18, s9;
	[sflag:s12] =	ssyncadd.s32 $0xFFFFF9C0  }
0x3a: {  	[tilespmem:s13], [sflag:$0x2] =	stream.linear.gather [hbm4b:s31+s3], $0x640, $0x38;
	[tilespmem:$0x1F720] =	vst v63  }
0x3b: {  	_ =	swait.ge [sflag:s12], $0x640  }
0x3c: {  	[sflag:s12] =	ssyncset.done $0x0  }
0x3d: {  	[sflag:s12] =	ssyncadd.s32 $0xFFFFF9C0  }
0x3e: {  	[tilespmem:s14], [sflag:$0x1] =	stream.indirect.gather [hbm4b:s4+s13], $0x10, s3, s13, $0xb8;
	[tilespmem:$0x1F720] =	vst v63  }
0x3f: {  	_ =	swait.ge [sflag:s15], $0x6400  }
0x40: {  	[sflag:s15] =	ssyncset.done $0x0  }
0x41: {  	[sflag:s15] =	ssyncadd.s32 $0xFFFF9C00  }
0x42: {  	[spmem:s2] =	stream.indirect.scatter.add.f32 [tilespmem:s14], [sflag:$0x2], $0x10, s13, s13, $0xb8;
	[tilespmem:$0x1F720] =	vst v63  }
0x43: {  	_ =	swait.ge [sflag:s12], $0x6400  }
0x44: {  	s17 =	sadd.s32 $0x1, s17;
	[sflag:s12] =	ssyncset.done $0x0  }
0x45: {  	p0 =	sne.s32 s17, s8;
	[sflag:s12] =	ssyncadd.s32 $0xFFFF9C00  }
.Ltmp1:
0x46: {  	[bflag:$0x0] =	sbarrier.arrive $0xFFFF;
	(pc) =	sbr.rel @p0 .LBB2_1-.Ltmp1, $4  }
0x47: {  	[hbm:s7@s16], [sflag:s6] =	dma.strided [spmem:s11@s12], $0x30E0, s15, $0x2   }
0x48: {  	_ =	swait.ge [sflag:s12], $0x30E0  }
0x49: {  	[sflag:s12] =	ssyncset.done $0x0  }
0x4a: {  	[sflag:s12] =	ssyncadd.s32 $0xFFFFCF20  }
0x4b: {  	_ =	sfence.sel $0x180000  }
0x4c: {  	[bflag:$0x0] =	sbarrier.arrive $0xFFFF  }
0x4d: {  	p0 =	sne.s32 s1, $0x0;
	_ =	strace $0x90000047  }
0x4e: {  	s0 =	sadd.s32 @!p0 $0x100000, s0;
	[bflag:$0x2] =	sbarrier.arrive $0xFFFF  }
0x4f: {  	[sflag:s0] =	ssyncadd.tile.s32 @!p0 $0x1;
	_ =	shalt  }
.Lfunc_end2:
_tile_overlayer_lowered:
.L_overlay_start_2:
0x50: {  	(tag) =	ssettag $0x2  }
0x51: {  	s0 =	rddreg [dreg:$0x0];
	s2 =	stileid.u32  }
0x52: {  	s1 =	rddreg [dreg:$0x1];
	p0 =	sne.s32 s2, $0x0  }
0x53: {  	s3 =	rddreg [dreg:$0x2];
	[bflag:$0x3] =	sbarrier.arrive $0xFFFF;
	s2 =	simm.s32 @!p0 $0x1C02  }
0x54: {  	[timem:s3], [sflag:s2] =	dma.local @!p0 [hbm:s0], s1  }
0x55: {  	s0 =	simm.s32 @!p0 $0x2  }
0x56: {  	_ =	swait.ge @!p0 [sflag:s0], s1  }
0x57: {  	s1 =	ssub.s32 @!p0 $0x0, s1;
	[sflag:s0] =	ssyncset.done @!p0 $0x0  }
0x58: {  	[sflag:s0] =	ssyncadd.s32 @!p0 s1  }
0x59: {  	[bflag:$0x3] =	sbarrier.arrive $0xFFFF  }
0x5a: {  	_ =	shalt  }

// kernel: kernel.14.cloned.1.call-start
scs
__scs_entry_jumppad:
0x0: {  	(pc) =	sbr.rel $0x88, $3  }
0x1: {  	(tag) =	ssettag $0x0;
	lr =	simm.s32 $0x1  }
0x2: {  	[smem:$0x3F88] =	sst lr;
	_ =	strace $0xD0000000  }
0x3: {  	_ = 	snop  }
0x4: {  	_ = 	snop  }
0x5: {  	_ = 	snop  }
0x6: {  	_ = 	snop  }
0x7: {  	_ = 	snop  }
__scs_overlays_trampoline_lowered:
0x8: {  	[smem:$0x3F97] =	sst s0  }
0x9: {  	[smem:$0x3F98] =	sst s1  }
0xa: {  	[smem:$0x3F99] =	sst s2  }
0xb: {  	[smem:$0x3F9A] =	sst s3  }
0xc: {  	[smem:$0x3F9B] =	sst s4  }
0xd: {  	[smem:$0x3F9C] =	sst s5  }
0xe: {  	[smem:$0x3F9D] =	sst s6  }
0xf: {  	[smem:$0x3F9E] =	sst s7  }
0x10: {  	[smem:$0x3F9F] =	sst s8  }
0x11: {  	[smem:$0x3FA0] =	sst s9;
	s0 =	simm.s32 @!p0 $0x0  }
0x12: {  	s1 =	sld [smem:$0x3F86];
	s0 =	simm.s32 @p0 $0x1  }
0x13: {  	[smem:$0x3FA1] =	sst s0;
	s0 =	simm.s32 @!p1 $0x0  }
0x14: {  	s2 =	sld [smem:$0x3F85];
	s0 =	simm.s32 @p1 $0x1  }
0x15: {  	[smem:$0x3FA2] =	sst s0;
	s0 =	simm.s32 @!p2 $0x0  }
0x16: {  	s3 =	sld [smem:$0x3FDB];
	s0 =	simm.s32 @p2 $0x1  }
0x17: {  	s4 =	simm.s32 $0x1BF5;
	[smem:$0x3FA4] =	sst s0  }
0x18: {  	s0 =	sld [smem:$0x3F87];
	_ =	swait.ge [sflag:s4], $0x0  }
0x19: {  	s7 =	sld [smem:$0x3F88]  }
0x1a: {  	s8 =	sadd.s32 $0xFFFFE003, lr  }
0x1b: {  	s9 =	sadd.s32 $0xFFFFFEF7, lr;
	s5 =	simm.s32 $0xFFFFFFFF;
	p2 =	slt.u32 s8, $0xFFFFF086  }
0x1c: {  	p1 =	slt.u32 s9, $0xF7A;
	s5 =	simm.s32 @!p2 $0x0  }
0x1d: {  	s5 =	simm.s32 @p1 $0x1;
	p0 =	seq.s32 s7, s2  }
0x1e: {  	s7 =	smul.u32 @!p0 $0xF7A, s2;
	p2 =	seq.s32 @!p0 s5, $0x0  }
0x1f: {  	s9 =	smul.u32 $0xF7A, s1;
	s8 =	simm.s32 @!p0 $0x1BF5;
	p2 =	por !p2, p0  }
0x20: {  	[sflag:s8] =	ssyncset.s32 @!p0 $0xFFFFF086;
	s6 =	sadd.s32 @!p0 s3, s7;
	s7 =	simm.s32 @!p0 $0x108  }
0x21: {  	s3 =	sadd.s32 s3, s9;
	s6 =	sadd.s32 @!p0 $0x88, s6;
	s7 =	simm.s32 @p2 $0x1082  }
0x22: {  	[simem:s7], [sflag:s8] =	dma.local @!p0 [hbm:s6], $0xF7A  }
0x23: {  	s9 =	sor.u32 $0xD0000000, s2;
	s6 =	simm.s32 $0x108;
	_ =	swait.ge @!p0 [sflag:s8], $0x0  }
0x24: {  	s3 =	sadd.s32 $0x88, s3;
	s6 =	simm.s32 @!p1 $0x1082;
	[sflag:s4] =	ssyncset.s32 $0xFFFFF086  }
0x25: {  	[simem:s6], [sflag:s4] =	dma.local [hbm:s3], $0xF7A  }
0x26: {  	[smem:$0x3F88] =	sst s1;
	(tag) =	ssettag s2;
	_ =	strace s9  }
0x27: {  	s1 =	sld [smem:$0x3F98]  }
0x28: {  	s2 =	sld [smem:$0x3F99]  }
0x29: {  	s4 =	sld [smem:$0x3F9B]  }
0x2a: {  	p0 =	seq.s32 s5, $0x0;
	s5 =	sld [smem:$0x3F9C]  }
0x2b: {  	s6 =	sld [smem:$0x3F9D]  }
0x2c: {  	s7 =	sld [smem:$0x3F9E]  }
0x2d: {  	s3 =	simm.s32 $0x108;
	s8 =	sld [smem:$0x3F9F]  }
0x2e: {  	s3 =	simm.s32 @!p0 $0x1082;
	s9 =	sld [smem:$0x3FA0]  }
0x2f: {  	lr =	sadd.s32 s0, s3;
	s0 =	sld [smem:$0x3F97]  }
0x30: {  	s3 =	sld [smem:$0x3F9A]  }
0x31: {  	[smem:$0x3FA3] =	sst s10  }
0x32: {  	s10 =	sld [smem:$0x3FA1];
	_ =	sdelay $0x3  }
0x33: {  	p0 =	seq.s32 s10, $0x1;
	s10 =	sld [smem:$0x3FA3];
	_ =	sdelay $0x3  }
0x34: {  	[smem:$0x3FA3] =	sst s10  }
0x35: {  	s10 =	sld [smem:$0x3FA2];
	_ =	sdelay $0x3  }
0x36: {  	p1 =	seq.s32 s10, $0x1;
	s10 =	sld [smem:$0x3FA3];
	_ =	sdelay $0x3  }
0x37: {  	[smem:$0x3FA3] =	sst s10  }
0x38: {  	s10 =	sld [smem:$0x3FA4]  }
0x39: {  	_ = 	snop;
	(pc) =	sbr.ind lr, $3  }
0x3a: {  	_ = 	snop  }
0x3b: {  	_ = 	snop  }
0x3c: {  	p2 =	seq.s32 s10, $0x1;
	s10 =	sld [smem:$0x3FA3]  }
0x3d: {  	_ =	shalt  }
0x3e: {  	_ =	shalt  }
0x3f: {  	_ =	shalt  }
0x40: {  	_ =	shalt  }
0x41: {  	_ =	shalt  }
0x42: {  	_ =	shalt  }
0x43: {  	_ =	shalt  }
0x44: {  	_ =	shalt  }
0x45: {  	_ =	shalt  }
0x46: {  	_ =	shalt  }
0x47: {  	_ =	shalt  }
0x48: {  	_ =	shalt  }
0x49: {  	_ =	shalt  }
0x4a: {  	_ =	shalt  }
0x4b: {  	_ =	shalt  }
0x4c: {  	_ =	shalt  }
0x4d: {  	_ =	shalt  }
0x4e: {  	_ =	shalt  }
0x4f: {  	_ =	shalt  }
0x50: {  	_ =	shalt  }
0x51: {  	_ =	shalt  }
0x52: {  	_ =	shalt  }
0x53: {  	_ =	shalt  }
0x54: {  	_ =	shalt  }
0x55: {  	_ =	shalt  }
0x56: {  	_ =	shalt  }
0x57: {  	_ =	shalt  }
0x58: {  	_ =	shalt  }
0x59: {  	_ =	shalt  }
0x5a: {  	_ =	shalt  }
0x5b: {  	_ =	shalt  }
0x5c: {  	_ =	shalt  }
0x5d: {  	_ =	shalt  }
0x5e: {  	_ =	shalt  }
0x5f: {  	_ =	shalt  }
0x60: {  	_ =	shalt  }
0x61: {  	_ =	shalt  }
0x62: {  	_ =	shalt  }
0x63: {  	_ =	shalt  }
0x64: {  	_ =	shalt  }
0x65: {  	_ =	shalt  }
0x66: {  	_ =	shalt  }
0x67: {  	_ =	shalt  }
0x68: {  	_ =	shalt  }
0x69: {  	_ =	shalt  }
0x6a: {  	_ =	shalt  }
0x6b: {  	_ =	shalt  }
0x6c: {  	_ =	shalt  }
0x6d: {  	_ =	shalt  }
0x6e: {  	_ =	shalt  }
0x6f: {  	_ =	shalt  }
0x70: {  	_ =	shalt  }
0x71: {  	_ =	shalt  }
0x72: {  	_ =	shalt  }
0x73: {  	_ =	shalt  }
0x74: {  	_ =	shalt  }
0x75: {  	_ =	shalt  }
0x76: {  	_ =	shalt  }
0x77: {  	_ =	shalt  }
0x78: {  	_ =	shalt  }
0x79: {  	_ =	shalt  }
0x7a: {  	_ =	shalt  }
0x7b: {  	_ =	shalt  }
0x7c: {  	_ =	shalt  }
0x7d: {  	_ =	shalt  }
0x7e: {  	_ =	shalt  }
0x7f: {  	_ =	shalt  }
0x80: {  	_ =	shalt  }
0x81: {  	_ =	shalt  }
0x82: {  	_ =	shalt  }
0x83: {  	_ =	shalt  }
0x84: {  	_ =	shalt  }
0x85: {  	_ =	shalt  }
0x86: {  	_ =	shalt  }
0x87: {  	_ =	shalt  }
.Lfunc_end0:
.L_simem_size_0:
called_computation.1_lowered:
.L_overlay_start_0:
0x88: {  	s2 =	sld [smem:$0x3FD9]  }
0x89: {  	s3 =	sld [smem:$0x3FFE];
	_ =	sdelay $0x1  }
0x8a: {  	s1 =	srdreg.scid  }
0x8b: {  	s0 =	sand.u32 $0x1, s1  }
0x8c: {  	s16 =	sshll.u32 s0, $0xA;
	s2 =	sadd.s32 s3, s2  }
0x8d: {  	s2 =	sadd.s32 s2, s16  }
0x8e: {  	[smem:$0x3FAF] =	sst s2  }
0x8f: {  	_ = 	snop  }
0x90: {  	(tm) =	ssettm $0x1  }
0x91: {  	s17 =	sld [smem:$0x3FFB];
	_ =	sdelay $0x3  }
0x92: {  	_ =	strace s17  }
0x93: {  	s2 =	sld [smem:$0x3FFC];
	_ =	sdelay $0x3  }
0x94: {  	_ =	strace s2  }
0x95: {  	s2 =	sld [smem:$0x3FFD];
	_ =	sdelay $0x3  }
0x96: {  	_ =	strace s2  }
0x97: {  	_ =	strace $0x8FFFFFFF  }
0x98: {  	s18 =	sld [smem:$0x3FDB];
	_ =	sdelay $0x1  }
0x99: {  	s19 =	simm.s32 $_scs_section_size  }
0x9a: {  	s4 =	simm.s32 $_size__tile_overlayer_lowered;
	s5 =	simm.s32 $_tile_overlayer_lowered  }
0x9b: {  	s22 =	simm.s32 $0x1BFF;
	s21 =	sshll.u32 s5, $0x1;
	s2 =	sadd.s32 s19, s18  }
0x9c: {  	s6 =	simm.s32 $0x0;
	s20 =	sshll.u32 s4, $0x1;
	s4 =	sadd.s32 s21, s2  }
0x9d: {  	[timem:s6], [sflag:s22] =	dma.local [hbm:s4], s20  }
0x9e: {  	_ =	swait.ge [sflag:s22], s20  }
0x9f: {  	s3 =	ssub.s32 $0x0, s20;
	[sflag:s22] =	ssyncset.done $0x0  }
0xa0: {  	[sflag:s22] =	ssyncadd.s32 s3;
	_ =	sdelay $0x1  }
0xa1: {  	s23 =	simm.s32 $0x1B8B  }
0xa2: {  	_ =	swait.ge [sflag:s23], $0x1  }
0xa3: {  	[sflag:s23] =	ssyncset.done $0x0  }
0xa4: {  	s25 =	simm.s32 $0x1B8E;
	s24 =	sld [smem:$0x3FFE];
	[sflag:s23] =	ssyncadd.s32 $0xFFFFFFFF  }
0xa5: {  	s26 =	simm.s32 $execute0_lowered;
	[smem:$0x3FD2] =	sst s25  }
0xa6: {  	s4 =	sshll.u32 s26, $0x1;
	_ =	strace $0x80000049;
	[dreg:$0x1] =	wrdreg $0xFFFFFFFF  }
0xa7: {  	s28 =	simm.s32 $_size_execute0_lowered;
	s2 =	sadd.s32 s2, s4;
	[dreg:$0x0] =	wrdreg $0x0  }
0xa8: {  	s4 =	sshll.u32 s28, $0x1;
	[dreg:$0x2] =	wrdreg s2  }
0xa9: {  	[dreg:$0x3] =	wrdreg s4  }
0xaa: {  	[dreg:$0x4] =	wrdreg $0xC0  }
0xab: {  	_ =	task [dreg:s6], $0x5FFFF  }
0xac: {  	[dreg:$0x1] =	wrdreg $0xFFFFFFFF  }
0xad: {  	[dreg:$0x0] =	wrdreg $0x60  }
0xae: {  	[dreg:$0x2] =	wrdreg s24  }
0xaf: {  	[dreg:$0x3] =	wrdreg $0x76C00  }
0xb0: {  	[dreg:$0x4] =	wrdreg $0x9  }
0xb1: {  	_ =	task.clear_ibuf [dreg:s6], $0x5FFFF;
	_ =	strace $0x90000049  }
0xb2: {  	s29 =	simm.s32 $0x9;
	_ =	strace $0x8000004B  }
0xb3: {  	_ =	swait.ge [sflag:s29], $0x1  }
0xb4: {  	[sflag:s29] =	ssyncadd.s32 $0xFFFFFFFF  }
0xb5: {  	_ =	strace $0x9000004B  }
0xb6: {  	_ =	sfence  }
0xb7: {  	s30 =	sld [smem:$0x0];
	_ =	sdelay $0x2  }
0xb8: {  	s31 =	sshll.u32 s1, $0xD;
	s1 =	sshrl.u32 s1, $0x2  }
0xb9: {  	s3 =	sand.u32 $0x4000, s31;
	s1 =	sadd.s32 s1, s30  }
0xba: {  	s0 =	sor.u32 s3, s0;
	s1 =	sshll.u32 s1, $0x11  }
0xbb: {  	s0 =	sor.u32 s1, s0  }
0xbc: {  	s0 =	sadd.s32 $0x8F2B, s0  }
0xbd: {  	[sflag:s0] =	ssyncadd.remote.s32 $0x1  }
0xbe: {  	_ =	sfence.sel $0xFFFF  }
0xbf: {  	[dreg:$0x0] =	wrdreg $0xFFFFFFFF;
	(pc) =	sbr.abs _section_cstart, $3  }
0xc0: {  	[dreg:$0x1] =	wrdreg $0xFFFFFFFF  }
0xc1: {  	_ =	task.clear_ibuf [dreg:s6], $0x2FFFF;
	_ =	strace $0x9FFFFFFF  }
0xc2: {  	(tm) =	ssettm $0x7FFFFFFF  }
0xc3: {  	_ =	shalt  }
tec
execute0_lowered:
.L_overlay_start_1:
0x0: {  	(tag) =	ssettag $0x1  }
0x1: {  	s7 =	rddreg [dreg:$0x0]  }
0x2: {  	s2 =	rddreg [dreg:$0x1]  }
0x3: {  	s0 =	rddreg [dreg:$0x2]  }
0x4: {  	s3 =	simm.s32 $0x0;
	s1 =	stileid.u32;
	s6 =	srdreg.scid  }
0x5: {  	s19 =	simm.s32 $0x8;
	[smem:$0x7FF] =	sst s3;
	s5 =	smul.u32 $0x1870, s1  }
0x6: {  	s4 =	sadd.s32 $0x373400, s7;
	s9 =	sand.u32 $0x1, s6;
	s6 =	sadd.s32 $0x4200, s7  }
0x7: {  	s13 =	sadd.s32 $0x436A00, s7;
	s31 =	sshll.u32 s1, $0x6;
	_ =	strace $0x8000004A  }
0x8: {  	s11 =	ssub.s32 $0x2, s9;
	s17 =	sshll.u32 s9, $0x1;
	s15 =	sshll.u32 s9, $0x5  }
0x9: {  	s18 =	sshllo.u32 s9, $0x1;
	s9 =	sor.u32 $0x1C02, s31;
	s8 =	smin.u32 s5, $0x16E30  }
0xa: {  	s5 =	sadd.s32 $0xC7800, s7;
	s12 =	sshrl.u32 s11, $0x1;
	s30 =	sshll.u32 s18, $0x4  }
0xb: {  	v0 =	vmov s17;
	v1 =	vmov s18;
	s17 =	simm.s32 $0x12C0;
	s18 =	simm.s32 $0x1;
	s10 =	sshll.u32 s8, $0x1  }
0xc: {  	s12 =	ssub.s32 s11, s12;
	s28 =	sshll.u32 s8, $0x6;
	s10 =	sadd.s32 s10, s7  }
0xd: {  	s7 =	smul.u32 $0x61A80, s1;
	s8 =	sshrl.u32 s28, $0x2;
	s29 =	sor.u32 s15, s28  }
0xe: {  	s11 =	sor.u32 s30, s28;
	s12 =	smax.u32 s12, $0x1;
	s15 =	simm.s32 $0x640  }
0xf: {  	s14 =	sadd.s32 s8, s2;
	s16 =	sshrl.u32 s29, $0x3;
	s11 =	sshrl.u32 s11, $0x3  }
0x10: {  	s8 =	sadd.s32 $0x1BBC00, s10;
	s10 =	sadd.s32 s13, s16;
	s11 =	sadd.s32 s13, s11  }
0x11: {  	s13 =	sshrl.u32 s14, $0x3;
	s14 =	simm.s32 $0x2;
	s16 =	simm.s32 $0xC80  }
.LBB2_1:
0x12: {  	[spmem:s13], [sflag:s9] =	dma.local [hbm:s8], $0x30E0  }
0x13: {  	_ =	swait.ge [sflag:s14], $0x30E0  }
0x14: {  	[sflag:s14] =	ssyncset.done $0x0  }
0x15: {  	[sflag:s14] =	ssyncadd.s32 $0xFFFFCF20  }
0x16: {  	s20 =	simm.s32 $0x0;
	[bflag:$0x0] =	sbarrier.arrive $0xFFFF  }
.LBB2_2:
0x17: {  	s21 =	smul.u32 $0x640, s20;
	_ =	sdelay $0x1  }
0x18: {  	s21 =	sadd.s32 s7, s21  }
0x19: {  	s21 =	sshrl.u32 s21, $0x3  }
0x1a: {  	s23 =	simm.s32 $0x0;
	s22 =	sadd.s32 s5, s21  }
0x1b: {  	[tilespmem:s23], [sflag:$0x2] =	stream.linear.gather [hbm4b:s22+s23], $0x640, $0x38;
	[tilespmem:$0x1FD60] =	vst v63  }
0x1c: {  	_ =	swait.ge [sflag:s14], $0x640  }
0x1d: {  	[sflag:s14] =	ssyncset.done $0x0  }
0x1e: {  	s21 =	sadd.s32 s6, s21;
	[sflag:s14] =	ssyncadd.s32 $0xFFFFF9C0  }
0x1f: {  	[tilespmem:s15], [sflag:$0x2] =	stream.linear.gather [hbm4b:s21+s23], $0x640, $0x38;
	[tilespmem:$0x1FD60] =	vst v63  }
0x20: {  	_ =	swait.ge [sflag:s14], $0x640  }
0x21: {  	[sflag:s14] =	ssyncset.done $0x0  }
0x22: {  	s21 =	simm.s32 $0x0;
	[sflag:s14] =	ssyncadd.s32 $0xFFFFF9C0  }
0x23: {  	v2 =	vld [tilespmem:s21+$0x0]  }
0x24: {  	s22 =	simm.s32 $0x40  }
.LBB2_3:
0x25: {  	p0 =	sne.s32 s22, $0x18C0  }
.Ltmp0:
0x26: {  	_ = 	snop;
	(pc) =	sbr.rel @p0 .LBB2_3-.Ltmp0, $4  }
0x27: {  	_ = 	snop  }
0x28: {  	s23 =	sshra.s32 s22, $0x2;
	s22 =	sadd.s32 $0x40, s22;
	v3 =	vshll.u32 v2, $0x2  }
0x29: {  	v2 =	vld [tilespmem:s23+$0x0];
	v3 =	vor.u32 v0, v3  }
0x2a: {  	[tilespmem:s21+$0xC80] =	vst v3;
	s21 =	smov.u32 s23  }
0x2b: {  	_ =	sdelay $0x2  }
0x2c: {  	v2 =	vshll.u32 v2, $0x2  }
0x2d: {  	v2 =	vor.u32 v0, v2  }
0x2e: {  	[tilespmem:s21+$0xC80] =	vst v2  }
0x2f: {  	[tilespmem:s17], [sflag:$0x1] =	stream.indirect.gather [hbm4b:s4+s15], $0x10, s16, s15, $0xb8;
	[tilespmem:$0x1FD60] =	vst v63  }
0x30: {  	s20 =	sadd.s32 $0x1, s20;
	_ =	swait.ge [sflag:s18], $0x6400  }
0x31: {  	p0 =	sne.s32 s20, $0xFA;
	[sflag:s18] =	ssyncset.done $0x0  }
.Ltmp1:
0x32: {  	[sflag:s18] =	ssyncadd.s32 $0xFFFF9C00;
	(pc) =	sbr.rel @p0 .LBB2_2-.Ltmp1, $4  }
0x33: {  	[spmem:s2] =	stream.indirect.scatter.add.f32 [tilespmem:s17], [sflag:$0x2], $0x10, s15, s15, $0xb8;
	[tilespmem:$0x1FD60] =	vst v63  }
0x34: {  	_ =	swait.ge [sflag:s14], $0x6400  }
0x35: {  	[sflag:s14] =	ssyncset.done $0x0  }
0x36: {  	[sflag:s14] =	ssyncadd.s32 $0xFFFF9C00  }
0x37: {  	[bflag:$0x0] =	sbarrier.arrive $0xFFFF  }
0x38: {  	[hbm:s10@s19], [sflag:s9] =	dma.strided [spmem:s13@s14], $0x30E0, s18, $0x2   }
0x39: {  	_ =	swait.ge [sflag:s14], $0x30E0  }
0x3a: {  	[sflag:s14] =	ssyncset.done $0x0  }
0x3b: {  	[sflag:s14] =	ssyncadd.s32 $0xFFFFCF20  }
0x3c: {  	[bflag:$0x0] =	sbarrier.arrive $0xFFFF  }
0x3d: {  	[spmem:s13], [sflag:s9] =	dma.local [hbm:s8], $0x30E0  }
0x3e: {  	_ =	swait.ge [sflag:s14], $0x30E0  }
0x3f: {  	[sflag:s14] =	ssyncset.done $0x0  }
0x40: {  	[sflag:s14] =	ssyncadd.s32 $0xFFFFCF20  }
0x41: {  	s20 =	simm.s32 $0x0;
	s21 =	simm.s32 $0x0;
	[bflag:$0x0] =	sbarrier.arrive $0xFFFF  }
.LBB2_6:
0x42: {  	s22 =	smul.u32 $0x640, s21;
	_ =	sdelay $0x1  }
0x43: {  	s22 =	sadd.s32 s7, s22  }
0x44: {  	s22 =	sshrl.u32 s22, $0x3  }
0x45: {  	s23 =	sadd.s32 s5, s22  }
0x46: {  	[tilespmem:s20], [sflag:$0x2] =	stream.linear.gather [hbm4b:s23+s20], $0x640, $0x38;
	[tilespmem:$0x1FD60] =	vst v63  }
0x47: {  	_ =	swait.ge [sflag:s14], $0x640  }
0x48: {  	[sflag:s14] =	ssyncset.done $0x0  }
0x49: {  	s22 =	sadd.s32 s6, s22;
	[sflag:s14] =	ssyncadd.s32 $0xFFFFF9C0  }
0x4a: {  	[tilespmem:s15], [sflag:$0x2] =	stream.linear.gather [hbm4b:s22+s20], $0x640, $0x38;
	[tilespmem:$0x1FD60] =	vst v63  }
0x4b: {  	_ =	swait.ge [sflag:s14], $0x640  }
0x4c: {  	[sflag:s14] =	ssyncset.done $0x0  }
0x4d: {  	s22 =	simm.s32 $0x0;
	[sflag:s14] =	ssyncadd.s32 $0xFFFFF9C0  }
0x4e: {  	v2 =	vld [tilespmem:s22+$0x0]  }
0x4f: {  	s23 =	simm.s32 $0x40  }
.LBB2_7:
0x50: {  	p0 =	sne.s32 s23, $0x18C0  }
.Ltmp2:
0x51: {  	_ = 	snop;
	(pc) =	sbr.rel @p0 .LBB2_7-.Ltmp2, $4  }
0x52: {  	_ = 	snop  }
0x53: {  	s24 =	sshra.s32 s23, $0x2;
	s23 =	sadd.s32 $0x40, s23;
	v3 =	vshll.u32 v2, $0x2  }
0x54: {  	v2 =	vld [tilespmem:s24+$0x0];
	v3 =	vor.u32 v1, v3  }
0x55: {  	[tilespmem:s22+$0xC80] =	vst v3;
	s22 =	smov.u32 s24  }
0x56: {  	_ =	sdelay $0x2  }
0x57: {  	v2 =	vshll.u32 v2, $0x2  }
0x58: {  	v2 =	vor.u32 v1, v2  }
0x59: {  	[tilespmem:s22+$0xC80] =	vst v2  }
0x5a: {  	[tilespmem:s17], [sflag:$0x1] =	stream.indirect.gather [hbm4b:s4+s15], $0x10, s16, s15, $0xb8;
	[tilespmem:$0x1FD60] =	vst v63  }
0x5b: {  	s21 =	sadd.s32 $0x1, s21;
	_ =	swait.ge [sflag:s18], $0x6400  }
0x5c: {  	p0 =	sne.s32 s21, $0xFA;
	[sflag:s18] =	ssyncset.done $0x0  }
.Ltmp3:
0x5d: {  	[sflag:s18] =	ssyncadd.s32 $0xFFFF9C00;
	(pc) =	sbr.rel @p0 .LBB2_6-.Ltmp3, $4  }
0x5e: {  	[spmem:s2] =	stream.indirect.scatter.add.f32 [tilespmem:s17], [sflag:$0x2], $0x10, s15, s15, $0xb8;
	[tilespmem:$0x1FD60] =	vst v63  }
0x5f: {  	_ =	swait.ge [sflag:s14], $0x6400  }
0x60: {  	[sflag:s14] =	ssyncset.done $0x0  }
0x61: {  	[sflag:s14] =	ssyncadd.s32 $0xFFFF9C00  }
0x62: {  	[bflag:$0x0] =	sbarrier.arrive $0xFFFF;
	s3 =	sadd.s32 $0x1, s3  }
0x63: {  	[hbm:s11@s19], [sflag:s9] =	dma.strided [spmem:s13@s14], $0x30E0, s18, $0x2   }
0x64: {  	p0 =	sne.s32 s3, s12  }
.Ltmp4:
0x65: {  	_ =	swait.ge [sflag:s14], $0x30E0;
	(pc) =	sbr.rel @p0 .LBB2_1-.Ltmp4, $3  }
0x66: {  	[sflag:s14] =	ssyncset.done $0x0  }
0x67: {  	[sflag:s14] =	ssyncadd.s32 $0xFFFFCF20  }
0x68: {  	[bflag:$0x0] =	sbarrier.arrive $0xFFFF;
	_ =	sdelay $0x1  }
0x69: {  	_ =	sfence.sel $0x180000  }
0x6a: {  	[bflag:$0x0] =	sbarrier.arrive $0xFFFF  }
0x6b: {  	p0 =	sne.s32 s1, $0x0;
	_ =	strace $0x9000004A  }
0x6c: {  	s0 =	sadd.s32 @!p0 $0x100000, s0;
	[bflag:$0x2] =	sbarrier.arrive $0xFFFF  }
0x6d: {  	[sflag:s0] =	ssyncadd.tile.s32 @!p0 $0x1;
	_ =	shalt  }
.Lfunc_end2:
_tile_overlayer_lowered:
.L_overlay_start_2:
0x6e: {  	(tag) =	ssettag $0x2  }
0x6f: {  	s0 =	rddreg [dreg:$0x0];
	s2 =	stileid.u32  }
0x70: {  	s1 =	rddreg [dreg:$0x1];
	p0 =	sne.s32 s2, $0x0  }
0x71: {  	s3 =	rddreg [dreg:$0x2];
	[bflag:$0x3] =	sbarrier.arrive $0xFFFF;
	s2 =	simm.s32 @!p0 $0x1C02  }
0x72: {  	[timem:s3], [sflag:s2] =	dma.local @!p0 [hbm:s0], s1  }
0x73: {  	s0 =	simm.s32 @!p0 $0x2  }
0x74: {  	_ =	swait.ge @!p0 [sflag:s0], s1  }
0x75: {  	s1 =	ssub.s32 @!p0 $0x0, s1;
	[sflag:s0] =	ssyncset.done @!p0 $0x0  }
0x76: {  	[sflag:s0] =	ssyncadd.s32 @!p0 s1  }
0x77: {  	[bflag:$0x3] =	sbarrier.arrive $0xFFFF  }
0x78: {  	_ =	shalt  }

// kernel: kernel.17.cloned.1.call-start
scs
__scs_entry_jumppad:
0x0: {  	(pc) =	sbr.rel $0x88, $3  }
0x1: {  	(tag) =	ssettag $0x0;
	lr =	simm.s32 $0x1  }
0x2: {  	[smem:$0x3F88] =	sst lr;
	_ =	strace $0xD0000000  }
0x3: {  	_ = 	snop  }
0x4: {  	_ = 	snop  }
0x5: {  	_ = 	snop  }
0x6: {  	_ = 	snop  }
0x7: {  	_ = 	snop  }
__scs_overlays_trampoline_lowered:
0x8: {  	[smem:$0x3F97] =	sst s0  }
0x9: {  	[smem:$0x3F98] =	sst s1  }
0xa: {  	[smem:$0x3F99] =	sst s2  }
0xb: {  	[smem:$0x3F9A] =	sst s3  }
0xc: {  	[smem:$0x3F9B] =	sst s4  }
0xd: {  	[smem:$0x3F9C] =	sst s5  }
0xe: {  	[smem:$0x3F9D] =	sst s6  }
0xf: {  	[smem:$0x3F9E] =	sst s7  }
0x10: {  	[smem:$0x3F9F] =	sst s8  }
0x11: {  	[smem:$0x3FA0] =	sst s9;
	s0 =	simm.s32 @!p0 $0x0  }
0x12: {  	s1 =	sld [smem:$0x3F86];
	s0 =	simm.s32 @p0 $0x1  }
0x13: {  	[smem:$0x3FA1] =	sst s0;
	s0 =	simm.s32 @!p1 $0x0  }
0x14: {  	s2 =	sld [smem:$0x3F85];
	s0 =	simm.s32 @p1 $0x1  }
0x15: {  	[smem:$0x3FA2] =	sst s0;
	s0 =	simm.s32 @!p2 $0x0  }
0x16: {  	s3 =	sld [smem:$0x3FDB];
	s0 =	simm.s32 @p2 $0x1  }
0x17: {  	s4 =	simm.s32 $0x1BF5;
	[smem:$0x3FA4] =	sst s0  }
0x18: {  	s0 =	sld [smem:$0x3F87];
	_ =	swait.ge [sflag:s4], $0x0  }
0x19: {  	s7 =	sld [smem:$0x3F88]  }
0x1a: {  	s8 =	sadd.s32 $0xFFFFE003, lr  }
0x1b: {  	s9 =	sadd.s32 $0xFFFFFEF7, lr;
	s5 =	simm.s32 $0xFFFFFFFF;
	p2 =	slt.u32 s8, $0xFFFFF086  }
0x1c: {  	p1 =	slt.u32 s9, $0xF7A;
	s5 =	simm.s32 @!p2 $0x0  }
0x1d: {  	s5 =	simm.s32 @p1 $0x1;
	p0 =	seq.s32 s7, s2  }
0x1e: {  	s7 =	smul.u32 @!p0 $0xF7A, s2;
	p2 =	seq.s32 @!p0 s5, $0x0  }
0x1f: {  	s9 =	smul.u32 $0xF7A, s1;
	s8 =	simm.s32 @!p0 $0x1BF5;
	p2 =	por !p2, p0  }
0x20: {  	[sflag:s8] =	ssyncset.s32 @!p0 $0xFFFFF086;
	s6 =	sadd.s32 @!p0 s3, s7;
	s7 =	simm.s32 @!p0 $0x108  }
0x21: {  	s3 =	sadd.s32 s3, s9;
	s6 =	sadd.s32 @!p0 $0x88, s6;
	s7 =	simm.s32 @p2 $0x1082  }
0x22: {  	[simem:s7], [sflag:s8] =	dma.local @!p0 [hbm:s6], $0xF7A  }
0x23: {  	s9 =	sor.u32 $0xD0000000, s2;
	s6 =	simm.s32 $0x108;
	_ =	swait.ge @!p0 [sflag:s8], $0x0  }
0x24: {  	s3 =	sadd.s32 $0x88, s3;
	s6 =	simm.s32 @!p1 $0x1082;
	[sflag:s4] =	ssyncset.s32 $0xFFFFF086  }
0x25: {  	[simem:s6], [sflag:s4] =	dma.local [hbm:s3], $0xF7A  }
0x26: {  	[smem:$0x3F88] =	sst s1;
	(tag) =	ssettag s2;
	_ =	strace s9  }
0x27: {  	s1 =	sld [smem:$0x3F98]  }
0x28: {  	s2 =	sld [smem:$0x3F99]  }
0x29: {  	s4 =	sld [smem:$0x3F9B]  }
0x2a: {  	p0 =	seq.s32 s5, $0x0;
	s5 =	sld [smem:$0x3F9C]  }
0x2b: {  	s6 =	sld [smem:$0x3F9D]  }
0x2c: {  	s7 =	sld [smem:$0x3F9E]  }
0x2d: {  	s3 =	simm.s32 $0x108;
	s8 =	sld [smem:$0x3F9F]  }
0x2e: {  	s3 =	simm.s32 @!p0 $0x1082;
	s9 =	sld [smem:$0x3FA0]  }
0x2f: {  	lr =	sadd.s32 s0, s3;
	s0 =	sld [smem:$0x3F97]  }
0x30: {  	s3 =	sld [smem:$0x3F9A]  }
0x31: {  	[smem:$0x3FA3] =	sst s10  }
0x32: {  	s10 =	sld [smem:$0x3FA1];
	_ =	sdelay $0x3  }
0x33: {  	p0 =	seq.s32 s10, $0x1;
	s10 =	sld [smem:$0x3FA3];
	_ =	sdelay $0x3  }
0x34: {  	[smem:$0x3FA3] =	sst s10  }
0x35: {  	s10 =	sld [smem:$0x3FA2];
	_ =	sdelay $0x3  }
0x36: {  	p1 =	seq.s32 s10, $0x1;
	s10 =	sld [smem:$0x3FA3];
	_ =	sdelay $0x3  }
0x37: {  	[smem:$0x3FA3] =	sst s10  }
0x38: {  	s10 =	sld [smem:$0x3FA4]  }
0x39: {  	_ = 	snop;
	(pc) =	sbr.ind lr, $3  }
0x3a: {  	_ = 	snop  }
0x3b: {  	_ = 	snop  }
0x3c: {  	p2 =	seq.s32 s10, $0x1;
	s10 =	sld [smem:$0x3FA3]  }
0x3d: {  	_ =	shalt  }
0x3e: {  	_ =	shalt  }
0x3f: {  	_ =	shalt  }
0x40: {  	_ =	shalt  }
0x41: {  	_ =	shalt  }
0x42: {  	_ =	shalt  }
0x43: {  	_ =	shalt  }
0x44: {  	_ =	shalt  }
0x45: {  	_ =	shalt  }
0x46: {  	_ =	shalt  }
0x47: {  	_ =	shalt  }
0x48: {  	_ =	shalt  }
0x49: {  	_ =	shalt  }
0x4a: {  	_ =	shalt  }
0x4b: {  	_ =	shalt  }
0x4c: {  	_ =	shalt  }
0x4d: {  	_ =	shalt  }
0x4e: {  	_ =	shalt  }
0x4f: {  	_ =	shalt  }
0x50: {  	_ =	shalt  }
0x51: {  	_ =	shalt  }
0x52: {  	_ =	shalt  }
0x53: {  	_ =	shalt  }
0x54: {  	_ =	shalt  }
0x55: {  	_ =	shalt  }
0x56: {  	_ =	shalt  }
0x57: {  	_ =	shalt  }
0x58: {  	_ =	shalt  }
0x59: {  	_ =	shalt  }
0x5a: {  	_ =	shalt  }
0x5b: {  	_ =	shalt  }
0x5c: {  	_ =	shalt  }
0x5d: {  	_ =	shalt  }
0x5e: {  	_ =	shalt  }
0x5f: {  	_ =	shalt  }
0x60: {  	_ =	shalt  }
0x61: {  	_ =	shalt  }
0x62: {  	_ =	shalt  }
0x63: {  	_ =	shalt  }
0x64: {  	_ =	shalt  }
0x65: {  	_ =	shalt  }
0x66: {  	_ =	shalt  }
0x67: {  	_ =	shalt  }
0x68: {  	_ =	shalt  }
0x69: {  	_ =	shalt  }
0x6a: {  	_ =	shalt  }
0x6b: {  	_ =	shalt  }
0x6c: {  	_ =	shalt  }
0x6d: {  	_ =	shalt  }
0x6e: {  	_ =	shalt  }
0x6f: {  	_ =	shalt  }
0x70: {  	_ =	shalt  }
0x71: {  	_ =	shalt  }
0x72: {  	_ =	shalt  }
0x73: {  	_ =	shalt  }
0x74: {  	_ =	shalt  }
0x75: {  	_ =	shalt  }
0x76: {  	_ =	shalt  }
0x77: {  	_ =	shalt  }
0x78: {  	_ =	shalt  }
0x79: {  	_ =	shalt  }
0x7a: {  	_ =	shalt  }
0x7b: {  	_ =	shalt  }
0x7c: {  	_ =	shalt  }
0x7d: {  	_ =	shalt  }
0x7e: {  	_ =	shalt  }
0x7f: {  	_ =	shalt  }
0x80: {  	_ =	shalt  }
0x81: {  	_ =	shalt  }
0x82: {  	_ =	shalt  }
0x83: {  	_ =	shalt  }
0x84: {  	_ =	shalt  }
0x85: {  	_ =	shalt  }
0x86: {  	_ =	shalt  }
0x87: {  	_ =	shalt  }
.Lfunc_end0:
.L_simem_size_0:
called_computation.2_lowered:
.L_overlay_start_0:
0x88: {  	s2 =	sld [smem:$0x3FD9]  }
0x89: {  	s3 =	sld [smem:$0x3FFE];
	_ =	sdelay $0x1  }
0x8a: {  	s1 =	srdreg.scid  }
0x8b: {  	s0 =	sand.u32 $0x1, s1  }
0x8c: {  	s16 =	sshll.u32 s0, $0xA;
	s2 =	sadd.s32 s3, s2  }
0x8d: {  	s2 =	sadd.s32 s2, s16  }
0x8e: {  	[smem:$0x3FAF] =	sst s2  }
0x8f: {  	_ = 	snop  }
0x90: {  	(tm) =	ssettm $0x1  }
0x91: {  	s17 =	sld [smem:$0x3FFB];
	_ =	sdelay $0x3  }
0x92: {  	_ =	strace s17  }
0x93: {  	s2 =	sld [smem:$0x3FFC];
	_ =	sdelay $0x3  }
0x94: {  	_ =	strace s2  }
0x95: {  	s2 =	sld [smem:$0x3FFD];
	_ =	sdelay $0x3  }
0x96: {  	_ =	strace s2  }
0x97: {  	_ =	strace $0x8FFFFFFF  }
0x98: {  	s18 =	sld [smem:$0x3FDB];
	_ =	sdelay $0x1  }
0x99: {  	s19 =	simm.s32 $_scs_section_size  }
0x9a: {  	s4 =	simm.s32 $_size__tile_overlayer_lowered;
	s5 =	simm.s32 $_tile_overlayer_lowered  }
0x9b: {  	s22 =	simm.s32 $0x1BFF;
	s21 =	sshll.u32 s5, $0x1;
	s2 =	sadd.s32 s19, s18  }
0x9c: {  	s6 =	simm.s32 $0x0;
	s20 =	sshll.u32 s4, $0x1;
	s4 =	sadd.s32 s21, s2  }
0x9d: {  	[timem:s6], [sflag:s22] =	dma.local [hbm:s4], s20  }
0x9e: {  	_ =	swait.ge [sflag:s22], s20  }
0x9f: {  	s3 =	ssub.s32 $0x0, s20;
	[sflag:s22] =	ssyncset.done $0x0  }
0xa0: {  	[sflag:s22] =	ssyncadd.s32 s3;
	_ =	sdelay $0x1  }
0xa1: {  	s23 =	simm.s32 $0x1B8B  }
0xa2: {  	_ =	swait.ge [sflag:s23], $0x1  }
0xa3: {  	[sflag:s23] =	ssyncset.done $0x0  }
0xa4: {  	s25 =	simm.s32 $0x1B8E;
	s24 =	sld [smem:$0x3FFE];
	[sflag:s23] =	ssyncadd.s32 $0xFFFFFFFF  }
0xa5: {  	s26 =	simm.s32 $execute0_lowered;
	[smem:$0x3FD2] =	sst s25  }
0xa6: {  	s4 =	sshll.u32 s26, $0x1;
	_ =	strace $0x8000004C;
	[dreg:$0x1] =	wrdreg $0xFFFFFFFF  }
0xa7: {  	s28 =	simm.s32 $_size_execute0_lowered;
	s2 =	sadd.s32 s2, s4;
	[dreg:$0x0] =	wrdreg $0x0  }
0xa8: {  	s4 =	sshll.u32 s28, $0x1;
	[dreg:$0x2] =	wrdreg s2  }
0xa9: {  	[dreg:$0x3] =	wrdreg s4  }
0xaa: {  	[dreg:$0x4] =	wrdreg $0xC0  }
0xab: {  	_ =	task [dreg:s6], $0x5FFFF  }
0xac: {  	[dreg:$0x1] =	wrdreg $0xFFFFFFFF  }
0xad: {  	[dreg:$0x0] =	wrdreg $0x60  }
0xae: {  	[dreg:$0x2] =	wrdreg s24  }
0xaf: {  	[dreg:$0x3] =	wrdreg $0x76C00  }
0xb0: {  	[dreg:$0x4] =	wrdreg $0x9  }
0xb1: {  	_ =	task.clear_ibuf [dreg:s6], $0x5FFFF;
	_ =	strace $0x9000004C  }
0xb2: {  	s29 =	simm.s32 $0x9;
	_ =	strace $0x8000004E  }
0xb3: {  	_ =	swait.ge [sflag:s29], $0x1  }
0xb4: {  	[sflag:s29] =	ssyncadd.s32 $0xFFFFFFFF  }
0xb5: {  	_ =	strace $0x9000004E  }
0xb6: {  	_ =	sfence  }
0xb7: {  	s30 =	sld [smem:$0x0];
	_ =	sdelay $0x2  }
0xb8: {  	s31 =	sshll.u32 s1, $0xD;
	s1 =	sshrl.u32 s1, $0x2  }
0xb9: {  	s3 =	sand.u32 $0x4000, s31;
	s1 =	sadd.s32 s1, s30  }
0xba: {  	s0 =	sor.u32 s3, s0;
	s1 =	sshll.u32 s1, $0x11  }
0xbb: {  	s0 =	sor.u32 s1, s0  }
0xbc: {  	s0 =	sadd.s32 $0x8F2B, s0  }
0xbd: {  	[sflag:s0] =	ssyncadd.remote.s32 $0x1  }
0xbe: {  	_ =	sfence.sel $0xFFFF  }
0xbf: {  	[dreg:$0x0] =	wrdreg $0xFFFFFFFF;
	(pc) =	sbr.abs _section_cstart, $3  }
0xc0: {  	[dreg:$0x1] =	wrdreg $0xFFFFFFFF  }
0xc1: {  	_ =	task.clear_ibuf [dreg:s6], $0x2FFFF;
	_ =	strace $0x9FFFFFFF  }
0xc2: {  	(tm) =	ssettm $0x7FFFFFFF  }
0xc3: {  	_ =	shalt  }
tec
execute0_lowered:
.L_overlay_start_1:
0x0: {  	(tag) =	ssettag $0x1  }
0x1: {  	s7 =	rddreg [dreg:$0x0]  }
0x2: {  	s2 =	rddreg [dreg:$0x1]  }
0x3: {  	s0 =	rddreg [dreg:$0x2]  }
0x4: {  	s3 =	simm.s32 $0x0;
	s1 =	stileid.u32;
	s6 =	srdreg.scid  }
0x5: {  	s19 =	simm.s32 $0x8;
	[smem:$0x7FF] =	sst s3;
	s5 =	smul.u32 $0x1870, s1  }
0x6: {  	s4 =	sadd.s32 $0x373400, s7;
	s9 =	sand.u32 $0x1, s6;
	s6 =	sadd.s32 $0x4200, s7  }
0x7: {  	s13 =	sadd.s32 $0x436A00, s7;
	s31 =	sshll.u32 s1, $0x6;
	_ =	strace $0x8000004D  }
0x8: {  	s11 =	ssub.s32 $0x2, s9;
	s17 =	sshll.u32 s9, $0x1;
	s15 =	sshll.u32 s9, $0x5  }
0x9: {  	s18 =	sshllo.u32 s9, $0x1;
	s9 =	sor.u32 $0x1C02, s31;
	s8 =	smin.u32 s5, $0x16E30  }
0xa: {  	s5 =	sadd.s32 $0xC7800, s7;
	s12 =	sshrl.u32 s11, $0x1;
	s30 =	sshll.u32 s18, $0x4  }
0xb: {  	v0 =	vmov s17;
	v1 =	vmov s18;
	s17 =	simm.s32 $0x12C0;
	s18 =	simm.s32 $0x1;
	s10 =	sshll.u32 s8, $0x1  }
0xc: {  	s12 =	ssub.s32 s11, s12;
	s28 =	sshll.u32 s8, $0x6;
	s10 =	sadd.s32 s10, s7  }
0xd: {  	s7 =	smul.u32 $0x61A80, s1;
	s8 =	sshrl.u32 s28, $0x2;
	s29 =	sor.u32 s15, s28  }
0xe: {  	s11 =	sor.u32 s30, s28;
	s12 =	smax.u32 s12, $0x1;
	s15 =	simm.s32 $0x640  }
0xf: {  	s14 =	sadd.s32 s8, s2;
	s16 =	sshrl.u32 s29, $0x3;
	s11 =	sshrl.u32 s11, $0x3  }
0x10: {  	s8 =	sadd.s32 $0x1BBC00, s10;
	s10 =	sadd.s32 s13, s16;
	s11 =	sadd.s32 s13, s11  }
0x11: {  	s13 =	sshrl.u32 s14, $0x3;
	s14 =	simm.s32 $0x2;
	s16 =	simm.s32 $0xC80  }
.LBB2_1:
0x12: {  	[spmem:s13], [sflag:s9] =	dma.local [hbm:s8], $0x30E0  }
0x13: {  	_ =	swait.ge [sflag:s14], $0x30E0  }
0x14: {  	[sflag:s14] =	ssyncset.done $0x0  }
0x15: {  	[sflag:s14] =	ssyncadd.s32 $0xFFFFCF20  }
0x16: {  	s20 =	simm.s32 $0x0;
	[bflag:$0x0] =	sbarrier.arrive $0xFFFF  }
.LBB2_2:
0x17: {  	s21 =	smul.u32 $0x640, s20;
	_ =	sdelay $0x1  }
0x18: {  	s21 =	sadd.s32 s7, s21  }
0x19: {  	s21 =	sshrl.u32 s21, $0x3  }
0x1a: {  	s23 =	simm.s32 $0x0;
	s22 =	sadd.s32 s5, s21  }
0x1b: {  	[tilespmem:s23], [sflag:$0x2] =	stream.linear.gather [hbm4b:s22+s23], $0x640, $0x38;
	[tilespmem:$0x1FD60] =	vst v63  }
0x1c: {  	_ =	swait.ge [sflag:s14], $0x640  }
0x1d: {  	[sflag:s14] =	ssyncset.done $0x0  }
0x1e: {  	s21 =	sadd.s32 s6, s21;
	[sflag:s14] =	ssyncadd.s32 $0xFFFFF9C0  }
0x1f: {  	[tilespmem:s15], [sflag:$0x2] =	stream.linear.gather [hbm4b:s21+s23], $0x640, $0x38;
	[tilespmem:$0x1FD60] =	vst v63  }
0x20: {  	_ =	swait.ge [sflag:s14], $0x640  }
0x21: {  	[sflag:s14] =	ssyncset.done $0x0  }
0x22: {  	s21 =	simm.s32 $0x0;
	[sflag:s14] =	ssyncadd.s32 $0xFFFFF9C0  }
0x23: {  	v2 =	vld [tilespmem:s21+$0x0]  }
0x24: {  	s22 =	simm.s32 $0x40  }
.LBB2_3:
0x25: {  	p0 =	sne.s32 s22, $0x18C0  }
.Ltmp0:
0x26: {  	_ = 	snop;
	(pc) =	sbr.rel @p0 .LBB2_3-.Ltmp0, $4  }
0x27: {  	_ = 	snop  }
0x28: {  	s23 =	sshra.s32 s22, $0x2;
	s22 =	sadd.s32 $0x40, s22;
	v3 =	vshll.u32 v2, $0x2  }
0x29: {  	v2 =	vld [tilespmem:s23+$0x0];
	v3 =	vor.u32 v0, v3  }
0x2a: {  	[tilespmem:s21+$0xC80] =	vst v3;
	s21 =	smov.u32 s23  }
0x2b: {  	_ =	sdelay $0x2  }
0x2c: {  	v2 =	vshll.u32 v2, $0x2  }
0x2d: {  	v2 =	vor.u32 v0, v2  }
0x2e: {  	[tilespmem:s21+$0xC80] =	vst v2  }
0x2f: {  	[tilespmem:s17], [sflag:$0x1] =	stream.indirect.gather [hbm4b:s4+s15], $0x10, s16, s15, $0xb8;
	[tilespmem:$0x1FD60] =	vst v63  }
0x30: {  	s20 =	sadd.s32 $0x1, s20;
	_ =	swait.ge [sflag:s18], $0x6400  }
0x31: {  	p0 =	sne.s32 s20, $0xFA;
	[sflag:s18] =	ssyncset.done $0x0  }
.Ltmp1:
0x32: {  	[sflag:s18] =	ssyncadd.s32 $0xFFFF9C00;
	(pc) =	sbr.rel @p0 .LBB2_2-.Ltmp1, $4  }
0x33: {  	[spmem:s2] =	stream.indirect.scatter.add.f32 [tilespmem:s17], [sflag:$0x2], $0x10, s15, s15, $0xb8;
	[tilespmem:$0x1FD60] =	vst v63  }
0x34: {  	_ =	swait.ge [sflag:s14], $0x6400  }
0x35: {  	[sflag:s14] =	ssyncset.done $0x0  }
0x36: {  	[sflag:s14] =	ssyncadd.s32 $0xFFFF9C00  }
0x37: {  	[bflag:$0x0] =	sbarrier.arrive $0xFFFF  }
0x38: {  	[hbm:s10@s19], [sflag:s9] =	dma.strided [spmem:s13@s14], $0x30E0, s18, $0x2   }
0x39: {  	_ =	swait.ge [sflag:s14], $0x30E0  }
0x3a: {  	[sflag:s14] =	ssyncset.done $0x0  }
0x3b: {  	[sflag:s14] =	ssyncadd.s32 $0xFFFFCF20  }
0x3c: {  	[bflag:$0x0] =	sbarrier.arrive $0xFFFF  }
0x3d: {  	[spmem:s13], [sflag:s9] =	dma.local [hbm:s8], $0x30E0  }
0x3e: {  	_ =	swait.ge [sflag:s14], $0x30E0  }
0x3f: {  	[sflag:s14] =	ssyncset.done $0x0  }
0x40: {  	[sflag:s14] =	ssyncadd.s32 $0xFFFFCF20  }
0x41: {  	s20 =	simm.s32 $0x0;
	s21 =	simm.s32 $0x0;
	[bflag:$0x0] =	sbarrier.arrive $0xFFFF  }
.LBB2_6:
0x42: {  	s22 =	smul.u32 $0x640, s21;
	_ =	sdelay $0x1  }
0x43: {  	s22 =	sadd.s32 s7, s22  }
0x44: {  	s22 =	sshrl.u32 s22, $0x3  }
0x45: {  	s23 =	sadd.s32 s5, s22  }
0x46: {  	[tilespmem:s20], [sflag:$0x2] =	stream.linear.gather [hbm4b:s23+s20], $0x640, $0x38;
	[tilespmem:$0x1FD60] =	vst v63  }
0x47: {  	_ =	swait.ge [sflag:s14], $0x640  }
0x48: {  	[sflag:s14] =	ssyncset.done $0x0  }
0x49: {  	s22 =	sadd.s32 s6, s22;
	[sflag:s14] =	ssyncadd.s32 $0xFFFFF9C0  }
0x4a: {  	[tilespmem:s15], [sflag:$0x2] =	stream.linear.gather [hbm4b:s22+s20], $0x640, $0x38;
	[tilespmem:$0x1FD60] =	vst v63  }
0x4b: {  	_ =	swait.ge [sflag:s14], $0x640  }
0x4c: {  	[sflag:s14] =	ssyncset.done $0x0  }
0x4d: {  	s22 =	simm.s32 $0x0;
	[sflag:s14] =	ssyncadd.s32 $0xFFFFF9C0  }
0x4e: {  	v2 =	vld [tilespmem:s22+$0x0]  }
0x4f: {  	s23 =	simm.s32 $0x40  }
.LBB2_7:
0x50: {  	p0 =	sne.s32 s23, $0x18C0  }
.Ltmp2:
0x51: {  	_ = 	snop;
	(pc) =	sbr.rel @p0 .LBB2_7-.Ltmp2, $4  }
0x52: {  	_ = 	snop  }
0x53: {  	s24 =	sshra.s32 s23, $0x2;
	s23 =	sadd.s32 $0x40, s23;
	v3 =	vshll.u32 v2, $0x2  }
0x54: {  	v2 =	vld [tilespmem:s24+$0x0];
	v3 =	vor.u32 v1, v3  }
0x55: {  	[tilespmem:s22+$0xC80] =	vst v3;
	s22 =	smov.u32 s24  }
0x56: {  	_ =	sdelay $0x2  }
0x57: {  	v2 =	vshll.u32 v2, $0x2  }
0x58: {  	v2 =	vor.u32 v1, v2  }
0x59: {  	[tilespmem:s22+$0xC80] =	vst v2  }
0x5a: {  	[tilespmem:s17], [sflag:$0x1] =	stream.indirect.gather [hbm4b:s4+s15], $0x10, s16, s15, $0xb8;
	[tilespmem:$0x1FD60] =	vst v63  }
0x5b: {  	s21 =	sadd.s32 $0x1, s21;
	_ =	swait.ge [sflag:s18], $0x6400  }
0x5c: {  	p0 =	sne.s32 s21, $0xFA;
	[sflag:s18] =	ssyncset.done $0x0  }
.Ltmp3:
0x5d: {  	[sflag:s18] =	ssyncadd.s32 $0xFFFF9C00;
	(pc) =	sbr.rel @p0 .LBB2_6-.Ltmp3, $4  }
0x5e: {  	[spmem:s2] =	stream.indirect.scatter.add.f32 [tilespmem:s17], [sflag:$0x2], $0x10, s15, s15, $0xb8;
	[tilespmem:$0x1FD60] =	vst v63  }
0x5f: {  	_ =	swait.ge [sflag:s14], $0x6400  }
0x60: {  	[sflag:s14] =	ssyncset.done $0x0  }
0x61: {  	[sflag:s14] =	ssyncadd.s32 $0xFFFF9C00  }
0x62: {  	[bflag:$0x0] =	sbarrier.arrive $0xFFFF;
	s3 =	sadd.s32 $0x1, s3  }
0x63: {  	[hbm:s11@s19], [sflag:s9] =	dma.strided [spmem:s13@s14], $0x30E0, s18, $0x2   }
0x64: {  	p0 =	sne.s32 s3, s12  }
.Ltmp4:
0x65: {  	_ =	swait.ge [sflag:s14], $0x30E0;
	(pc) =	sbr.rel @p0 .LBB2_1-.Ltmp4, $3  }
0x66: {  	[sflag:s14] =	ssyncset.done $0x0  }
0x67: {  	[sflag:s14] =	ssyncadd.s32 $0xFFFFCF20  }
0x68: {  	[bflag:$0x0] =	sbarrier.arrive $0xFFFF;
	_ =	sdelay $0x1  }
0x69: {  	_ =	sfence.sel $0x180000  }
0x6a: {  	[bflag:$0x0] =	sbarrier.arrive $0xFFFF  }
0x6b: {  	p0 =	sne.s32 s1, $0x0;
	_ =	strace $0x9000004D  }
0x6c: {  	s0 =	sadd.s32 @!p0 $0x100000, s0;
	[bflag:$0x2] =	sbarrier.arrive $0xFFFF  }
0x6d: {  	[sflag:s0] =	ssyncadd.tile.s32 @!p0 $0x1;
	_ =	shalt  }
.Lfunc_end2:
_tile_overlayer_lowered:
.L_overlay_start_2:
0x6e: {  	(tag) =	ssettag $0x2  }
0x6f: {  	s0 =	rddreg [dreg:$0x0];
	s2 =	stileid.u32  }
0x70: {  	s1 =	rddreg [dreg:$0x1];
	p0 =	sne.s32 s2, $0x0  }
0x71: {  	s3 =	rddreg [dreg:$0x2];
	[bflag:$0x3] =	sbarrier.arrive $0xFFFF;
	s2 =	simm.s32 @!p0 $0x1C02  }
0x72: {  	[timem:s3], [sflag:s2] =	dma.local @!p0 [hbm:s0], s1  }
0x73: {  	s0 =	simm.s32 @!p0 $0x2  }
0x74: {  	_ =	swait.ge @!p0 [sflag:s0], s1  }
0x75: {  	s1 =	ssub.s32 @!p0 $0x0, s1;
	[sflag:s0] =	ssyncset.done @!p0 $0x0  }
0x76: {  	[sflag:s0] =	ssyncadd.s32 @!p0 s1  }
0x77: {  	[bflag:$0x3] =	sbarrier.arrive $0xFFFF  }
0x78: {  	_ =	shalt  }

</sc_bundles>
